<compile_context>
chip_gen: v7x
topology: tpu7x:2x2x1
jax: 0.10.2.dev20260603
libtpu: 0.0.44.dev20260713+nightly
codegen_flags: <defaults>
</compile_context>

<pallas_src>
import functools

import jax
import jax.numpy as jnp
from jax import lax
from jax.experimental import pallas as pl
from jax.experimental.pallas import tpu as pltpu
from jax.experimental.pallas import tpu_sc as plsc

N = 10000
NUM_RNA = 5000
E = 320000
D = 128

NC = 2
NS = 16
NW = NC * NS
CHUNK = 128
CHUNKS_PER_W = -(-E // (NW * CHUNK))
EPW = CHUNKS_PER_W * CHUNK
EP = EPW * NW
TRASH = N
NP = 10240
ZROWS = NP // NS


def _make_sc_scatter(with_cnt):
    mesh = plsc.VectorSubcoreMesh(core_axis_name="c", subcore_axis_name="s")
    out_type = [jax.ShapeDtypeStruct((NC, NP, D), jnp.float32)]
    scratch = [
        pltpu.VMEM_SHARED((NP, D), jnp.float32),
        [pltpu.VMEM((2, CHUNK), jnp.int32) for _ in range(2)],
        pltpu.VMEM((CHUNK, D), jnp.float32),
        pltpu.SemaphoreType.DMA,
        [pltpu.SemaphoreType.DMA for _ in range(2)],
    ]

    def body_nocnt(x_hbm, sd_hbm, zsum_hbm,
                   sum_out, acc_sum, sd, rows, sem, isems):
        c = lax.axis_index("c")
        s = lax.axis_index("s")
        wid = c * NS + s
        cb = wid * CHUNKS_PER_W
        pltpu.sync_copy(zsum_hbm, acc_sum.at[pl.ds(s * ZROWS, ZROWS)])
        plsc.subcore_barrier()

        def do(b, ch):
            pltpu.make_async_copy(sd_hbm.at[ch], sd[b], isems[b]).wait()
            pltpu.async_copy(x_hbm.at[sd[b].at[0]], rows, sem).wait()
            pltpu.sync_copy(rows, acc_sum.at[sd[b].at[1]], add=True)

        pltpu.async_copy(sd_hbm.at[cb], sd[0], isems[0])

        def pair(j, carry):
            pltpu.async_copy(sd_hbm.at[cb + 2 * j + 1], sd[1], isems[1])
            do(0, cb + 2 * j)
            pltpu.async_copy(sd_hbm.at[cb + 2 * j + 2], sd[0], isems[0])
            do(1, cb + 2 * j + 1)
            return carry

        lax.fori_loop(0, (CHUNKS_PER_W - 1) // 2, pair, 0)
        do(0, cb + CHUNKS_PER_W - 1)
        plsc.subcore_barrier()
        sl = pl.ds(s * ZROWS, ZROWS)
        pltpu.sync_copy(acc_sum.at[sl], sum_out.at[c, sl])

    return pl.kernel(
        body_nocnt,
        out_type=tuple(out_type),
        mesh=mesh,
        scratch_types=tuple(scratch),
        name="sc_segsum",
    )


_sc_scatter = _make_sc_scatter(False)

_HBLK = 2000


def _cnt_hist(dst_col):

    def body(d_ref, o_ref):
        i = pl.program_id(0)
        d = d_ref[...]
        lane = lax.broadcasted_iota(jnp.int32, (1, 128), 1)
        a = ((d >> 7) == lane).astype(jnp.bfloat16)
        b = ((d & 127) == lane).astype(jnp.bfloat16)
        blk = lax.dot_general(a, b, (((0,), (0,)), ((), ())),
                              preferred_element_type=jnp.float32)

        @pl.when(i == 0)
        def _():
            o_ref[...] = blk

        @pl.when(i != 0)
        def _():
            o_ref[...] += blk

    return pl.pallas_call(
        body,
        grid=(E // _HBLK,),
        in_specs=[pl.BlockSpec((_HBLK, 1), lambda i: (i, 0))],
        out_specs=pl.BlockSpec((128, 128), lambda i: (0, 0)),
        out_shape=jax.ShapeDtypeStruct((128, 128), jnp.float32),
    )(dst_col)

_BM = 2048


def _sage_dense(p, cnt, xin, Wl, Wr, b, relu):

    def body(p_ref, c_ref, x_ref, wl_ref, wr_ref, b_ref, o_ref):
        psum = p_ref[0] + p_ref[1]
        csum = c_ref[...]
        agg = psum / jnp.maximum(csum, 1.0)
        acc = lax.dot_general(agg, wl_ref[...], (((1,), (1,)), ((), ())),
                              preferred_element_type=jnp.float32)
        acc = acc + lax.dot_general(x_ref[...], wr_ref[...],
                                    (((1,), (1,)), ((), ())),
                                    preferred_element_type=jnp.float32)
        acc = acc + b_ref[...]
        if relu:
            acc = jnp.maximum(acc, 0.0)
        o_ref[...] = acc

    return pl.pallas_call(
        body,
        grid=(NP // _BM,),
        in_specs=[
            pl.BlockSpec((NC, _BM, D), lambda i: (0, i, 0)),
            pl.BlockSpec((_BM, 1), lambda i: (i, 0)),
            pl.BlockSpec((_BM, D), lambda i: (i, 0)),
            pl.BlockSpec((D, D), lambda i: (0, 0)),
            pl.BlockSpec((D, D), lambda i: (0, 0)),
            pl.BlockSpec((1, D), lambda i: (0, 0)),
        ],
        out_specs=pl.BlockSpec((_BM, D), lambda i: (i, 0)),
        out_shape=jax.ShapeDtypeStruct((NP, D), jnp.float32),
    )(p, cnt, xin, Wl, Wr, b)


_DBM = 1024


def _decoder(h2):

    def body(a_ref, b_ref, o_ref):
        o_ref[...] = lax.dot_general(a_ref[...], b_ref[...],
                                     (((1,), (1,)), ((), ())),
                                     preferred_element_type=jnp.float32)

    drug = lax.slice(h2, (NUM_RNA, 0), (N, D))
    nb = -(-NUM_RNA // _DBM)
    return pl.pallas_call(
        body,
        grid=(nb, nb),
        in_specs=[
            pl.BlockSpec((_DBM, D), lambda i, j: (i, 0)),
            pl.BlockSpec((_DBM, D), lambda i, j: (j, 0)),
        ],
        out_specs=pl.BlockSpec((_DBM, _DBM), lambda i, j: (i, j)),
        out_shape=jax.ShapeDtypeStruct((NUM_RNA, NUM_RNA), jnp.float32),
    )(h2, drug)


def kernel(x, edge_index, W1_l, W1_r, b1, W2_l, W2_r, b2):
    src = edge_index[0]
    dst = edge_index[1]
    pad = EP - E
    src_p = jnp.concatenate([src, jnp.zeros((pad,), jnp.int32)])
    dst_p = jnp.concatenate([dst, jnp.full((pad,), TRASH, jnp.int32)])
    x_p = jnp.concatenate([x, jnp.zeros((NP - N, D), jnp.float32)], axis=0)
    zsum = jnp.zeros((ZROWS, D), jnp.float32)
    b1r = b1.reshape(1, D)
    b2r = b2.reshape(1, D)

    nchunks = EP // CHUNK
    sd = jnp.concatenate([src_p.reshape(nchunks, 1, CHUNK),
                          dst_p.reshape(nchunks, 1, CHUNK)], axis=1)
    cnt128 = _cnt_hist(dst.reshape(E, 1))
    c1 = cnt128.reshape(128 * 128, 1)[:NP]
    (p1,) = _sc_scatter(x_p, sd, zsum)
    h = _sage_dense(p1, c1, x_p, W1_l, W1_r, b1r, relu=True)
    (p2,) = _sc_scatter(h, sd, zsum)
    h2 = _sage_dense(p2, c1, h, W2_l, W2_r, b2r, relu=False)
    return _decoder(h2)

# --- scband reference (transcript-rebuilt; emitter-appended) ---
"""Pipeline reference for scband-gnndecoder-14482629722146 (READ-ONLY COPY).

The authoritative reference and input builder live on the scoring server;
editing this copy changes nothing except your own understanding.
"""

import jax, jax.numpy as jnp
import numpy as np

N = 10000
NUM_RNA = 5000
E = 320000
D_IN = 128
D_HID = 128
D_OUT = 128


def _sage_conv(x, edge_index, W_l, W_r, b):
    # PyG SAGEConv (aggr='mean'): out = lin_l(mean_j x_j) + lin_r(x_i)
    src = edge_index[0]
    dst = edge_index[1]
    msgs = jnp.take(x, src, axis=0)
    agg_sum = jax.ops.segment_sum(msgs, dst, num_segments=N)
    cnt = jax.ops.segment_sum(jnp.ones((msgs.shape[0],), dtype=x.dtype), dst, num_segments=N)
    agg = agg_sum / jnp.clip(cnt, 1.0)[:, None]
    return agg @ W_l.T + b + x @ W_r.T


def setup_inputs(seed: int = 0) -> dict:
    key = jax.random.key(seed)
    ks = jax.random.split(key, 8)
    x = jax.random.normal(ks[0], (N, D_IN), dtype=jnp.float32)
    edge_index = jax.random.randint(ks[1], (2, E), 0, N, dtype=jnp.int32)
    s1 = 1.0 / np.sqrt(D_IN)
    s2 = 1.0 / np.sqrt(D_HID)
    W1_l = jax.random.uniform(ks[2], (D_HID, D_IN), dtype=jnp.float32, minval=-s1, maxval=s1)
    W1_r = jax.random.uniform(ks[3], (D_HID, D_IN), dtype=jnp.float32, minval=-s1, maxval=s1)
    b1 = jnp.zeros((D_HID,), dtype=jnp.float32)
    W2_l = jax.random.uniform(ks[4], (D_OUT, D_HID), dtype=jnp.float32, minval=-s2, maxval=s2)
    W2_r = jax.random.uniform(ks[5], (D_OUT, D_HID), dtype=jnp.float32, minval=-s2, maxval=s2)
    b2 = jnp.zeros((D_OUT,), dtype=jnp.float32)
    return {"x": x, "edge_index": edge_index, "W1_l": W1_l, "W1_r": W1_r, "b1": b1,
            "W2_l": W2_l, "W2_r": W2_r, "b2": b2}


def reference(x, edge_index, W1_l, W1_r, b1, W2_l, W2_r, b2):
    h = _sage_conv(x, edge_index, W1_l, W1_r, b1)
    h = jnp.maximum(h, 0.0)
    h = _sage_conv(h, edge_index, W2_l, W2_r, b2)
    rna_emb = h[:NUM_RNA]
    drug_emb = h[NUM_RNA:]
    out = rna_emb @ drug_emb.T
    return out

if __name__ == "__main__":
    import jax
    _d = setup_inputs()
    print(jax.jit(kernel)(*tuple(_d.values())))

</pallas_src>

<mosaic_0001>
#map = affine_map<(d0, d1) -> (0, 0)>
#map1 = affine_map<(d0, d1) -> (0, 0, 0)>
module attributes {stable_mosaic.version = 14 : i64} {
  func.func @sc_segsum(%arg0: i32, %arg1: i32, %arg2: memref<10240x128xf32, #tpu.memory_space<hbm>>, %arg3: memref<2528x2x128xi32, #tpu.memory_space<hbm>>, %arg4: memref<640x128xf32, #tpu.memory_space<hbm>>, %arg5: memref<2x10240x128xf32, #tpu.memory_space<hbm>>, %arg6: memref<10240x128xf32, #tpu.memory_space<vmem_shared>>, %arg7: memref<2x128xi32, #tpu.memory_space<vmem>>, %arg8: memref<2x128xi32, #tpu.memory_space<vmem>>, %arg9: memref<128x128xf32, #tpu.memory_space<vmem>>, %arg10: memref<!tpu.dma_semaphore, #tpu.memory_space<semaphore_mem>>, %arg11: memref<!tpu.dma_semaphore, #tpu.memory_space<semaphore_mem>>, %arg12: memref<!tpu.dma_semaphore, #tpu.memory_space<semaphore_mem>>) attributes {dimension_semantics = [#tpu.dimension_semantics<core_parallel>, #tpu.dimension_semantics<subcore_parallel>], iteration_bounds = array<i64: 2, 16>, scalar_prefetch = 0 : i64, scratch_operands = 7 : i64, tpu.core_type = #tpu.core_type<sc_vector_subcore>, window_params = [{transform_indices = #map}, {transform_indices = #map1}, {transform_indices = #map}, {transform_indices = #map1}]} {
    %mul3A = arith.constant 16 : i32
    %mul3A_0 = arith.muli %arg0, %mul3A : i32
    %add3A = arith.addi %mul3A_0, %arg1 : i32
    %mul3A_1 = arith.constant 79 : i32
    %mul3A_2 = arith.muli %add3A, %mul3A_1 : i32
    %mul3A_3 = arith.constant 640 : i32
    %mul3A_4 = arith.muli %arg1, %mul3A_3 : i32
    "tpu.region"() ({
      %run_scoped3A_44 = tpu.sem_alloc : memref<!tpu.dma_semaphore, #tpu.memory_space<semaphore_mem>>
      %dma_start3A_45 = arith.constant 0 : i32
      %dma_start3A_46 = tpu.memref_slice %arg6[%mul3A_4, %dma_start3A_45] : memref<10240x128xf32, #tpu.memory_space<vmem_shared>> -> memref<640x128xf32, #tpu.memory_space<vmem_shared>>
      tpu.enqueue_dma source(%arg4 : memref<640x128xf32, #tpu.memory_space<hbm>>) target(%dma_start3A_46 : memref<640x128xf32, #tpu.memory_space<vmem_shared>>) target_semaphore(%run_scoped3A_44 : memref<!tpu.dma_semaphore, #tpu.memory_space<semaphore_mem>>)
      %dma_wait3A_47 = arith.constant 0 : i32
      %dma_wait3A_48 = tpu.memref_slice %arg6[%mul3A_4, %dma_wait3A_47] : memref<10240x128xf32, #tpu.memory_space<vmem_shared>> -> memref<640x128xf32, #tpu.memory_space<vmem_shared>>
      tpu.wait_dma2 semaphore(%run_scoped3A_44 : memref<!tpu.dma_semaphore, #tpu.memory_space<semaphore_mem>>) src(%arg4 : memref<640x128xf32, #tpu.memory_space<hbm>>) dst(%dma_wait3A_48 : memref<640x128xf32, #tpu.memory_space<vmem_shared>>)
      tpu.yield
    }) : () -> ()
    %barrier3A = arith.constant 0 : index
    tpu.barrier barrier_id(%barrier3A)
    %dma_start3A = arith.constant 0 : i32
    %dma_start3A_5 = arith.constant 0 : i32
    %dma_start3A_6 = tpu.memref_slice %arg3[%mul3A_2, %dma_start3A, %dma_start3A_5] : memref<2528x2x128xi32, #tpu.memory_space<hbm>> -> memref<1x2x128xi32, #tpu.memory_space<hbm>>
    %dma_start3A_7 = tpu.memref_squeeze %dma_start3A_6 : memref<1x2x128xi32, #tpu.memory_space<hbm>> -> memref<2x128xi32, #tpu.memory_space<hbm>>
    %dma_start3A_8 = arith.constant 0 : i32
    %dma_start3A_9 = arith.constant 0 : i32
    %dma_start3A_10 = tpu.memref_slice %arg3[%mul3A_2, %dma_start3A_8, %dma_start3A_9] : memref<2528x2x128xi32, #tpu.memory_space<hbm>> -> memref<1x2x128xi32, #tpu.memory_space<hbm>>
    %dma_start3A_11 = tpu.memref_squeeze %dma_start3A_10 : memref<1x2x128xi32, #tpu.memory_space<hbm>> -> memref<2x128xi32, #tpu.memory_space<hbm>>
    tpu.enqueue_dma source(%dma_start3A_11 : memref<2x128xi32, #tpu.memory_space<hbm>>) target(%arg7 : memref<2x128xi32, #tpu.memory_space<vmem>>) target_semaphore(%arg11 : memref<!tpu.dma_semaphore, #tpu.memory_space<semaphore_mem>>)
    %scan3A = arith.constant 0 : i32
    %scan3A_12 = arith.constant 0 : i32
    %scan3A_13 = arith.constant 39 : i32
    %scan3A_14 = arith.addi %scan3A_12, %scan3A_13 : i32
    %scan3A_15 = arith.constant 1 : i32
    scf.for %scan3A_44 = %scan3A_12 to %scan3A_14 step %scan3A_15  : i32 {
      %mul3A_45 = arith.constant 2 : i32
      %mul3A_46 = arith.muli %mul3A_45, %scan3A_44 : i32
      %add3A_47 = arith.addi %mul3A_2, %mul3A_46 : i32
      %add3A_48 = arith.constant 1 : i32
      %add3A_49 = arith.addi %add3A_47, %add3A_48 : i32
      %dma_start3A_50 = arith.constant 0 : i32
      %dma_start3A_51 = arith.constant 0 : i32
      %dma_start3A_52 = tpu.memref_slice %arg3[%add3A_49, %dma_start3A_50, %dma_start3A_51] : memref<2528x2x128xi32, #tpu.memory_space<hbm>> -> memref<1x2x128xi32, #tpu.memory_space<hbm>>
      %dma_start3A_53 = tpu.memref_squeeze %dma_start3A_52 : memref<1x2x128xi32, #tpu.memory_space<hbm>> -> memref<2x128xi32, #tpu.memory_space<hbm>>
      %dma_start3A_54 = arith.constant 0 : i32
      %dma_start3A_55 = arith.constant 0 : i32
      %dma_start3A_56 = tpu.memref_slice %arg3[%add3A_49, %dma_start3A_54, %dma_start3A_55] : memref<2528x2x128xi32, #tpu.memory_space<hbm>> -> memref<1x2x128xi32, #tpu.memory_space<hbm>>
      %dma_start3A_57 = tpu.memref_squeeze %dma_start3A_56 : memref<1x2x128xi32, #tpu.memory_space<hbm>> -> memref<2x128xi32, #tpu.memory_space<hbm>>
      tpu.enqueue_dma source(%dma_start3A_57 : memref<2x128xi32, #tpu.memory_space<hbm>>) target(%arg8 : memref<2x128xi32, #tpu.memory_space<vmem>>) target_semaphore(%arg12 : memref<!tpu.dma_semaphore, #tpu.memory_space<semaphore_mem>>)
      %mul3A_58 = arith.constant 2 : i32
      %mul3A_59 = arith.muli %mul3A_58, %scan3A_44 : i32
      %add3A_60 = arith.addi %mul3A_2, %mul3A_59 : i32
      %dma_wait3A_61 = arith.constant 0 : i32
      %dma_wait3A_62 = arith.constant 0 : i32
      %dma_wait3A_63 = tpu.memref_slice %arg3[%add3A_60, %dma_wait3A_61, %dma_wait3A_62] : memref<2528x2x128xi32, #tpu.memory_space<hbm>> -> memref<1x2x128xi32, #tpu.memory_space<hbm>>
      %dma_wait3A_64 = tpu.memref_squeeze %dma_wait3A_63 : memref<1x2x128xi32, #tpu.memory_space<hbm>> -> memref<2x128xi32, #tpu.memory_space<hbm>>
      %dma_wait3A_65 = arith.constant 0 : i32
      %dma_wait3A_66 = arith.constant 0 : i32
      %dma_wait3A_67 = tpu.memref_slice %arg3[%add3A_60, %dma_wait3A_65, %dma_wait3A_66] : memref<2528x2x128xi32, #tpu.memory_space<hbm>> -> memref<1x2x128xi32, #tpu.memory_space<hbm>>
      %dma_wait3A_68 = tpu.memref_squeeze %dma_wait3A_67 : memref<1x2x128xi32, #tpu.memory_space<hbm>> -> memref<2x128xi32, #tpu.memory_space<hbm>>
      tpu.wait_dma2 semaphore(%arg11 : memref<!tpu.dma_semaphore, #tpu.memory_space<semaphore_mem>>) src(%dma_wait3A_68 : memref<2x128xi32, #tpu.memory_space<hbm>>) dst(%arg7 : memref<2x128xi32, #tpu.memory_space<vmem>>)
      %dma_start3A_69 = arith.constant 0 : i32
      %dma_start3A_70 = arith.constant 0 : i32
      %dma_start3A_71 = tpu.memref_slice %arg7[%dma_start3A_69, %dma_start3A_70] : memref<2x128xi32, #tpu.memory_space<vmem>> -> memref<1x128xi32, #tpu.memory_space<vmem>>
      %dma_start3A_72 = tpu.memref_squeeze %dma_start3A_71 : memref<1x128xi32, #tpu.memory_space<vmem>> -> memref<128xi32, #tpu.memory_space<vmem>>
      %dma_start3A_73 = arith.constant 0 : i32
      %dma_start3A_74 = arith.constant 0 : i32
      %dma_start3A_75 = tpu.memref_slice %arg2[%dma_start3A_73, %dma_start3A_74] : memref<10240x128xf32, #tpu.memory_space<hbm>> -> memref<10240x128xf32, #tpu.memory_space<hbm>>
      tpu.enqueue_indirect_dma source(%dma_start3A_75 : memref<10240x128xf32, #tpu.memory_space<hbm>>) target(%arg9 : memref<128x128xf32, #tpu.memory_space<vmem>>) offsets(%dma_start3A_72 : memref<128xi32, #tpu.memory_space<vmem>>) semaphore(%arg10 : memref<!tpu.dma_semaphore, #tpu.memory_space<semaphore_mem>>)
      %dma_wait3A_76 = arith.constant 0 : i32
      %dma_wait3A_77 = arith.constant 0 : i32
      %dma_wait3A_78 = tpu.memref_slice %arg7[%dma_wait3A_76, %dma_wait3A_77] : memref<2x128xi32, #tpu.memory_space<vmem>> -> memref<1x128xi32, #tpu.memory_space<vmem>>
      %dma_wait3A_79 = tpu.memref_squeeze %dma_wait3A_78 : memref<1x128xi32, #tpu.memory_space<vmem>> -> memref<128xi32, #tpu.memory_space<vmem>>
      %dma_wait3A_80 = arith.constant 0 : i32
      %dma_wait3A_81 = arith.constant 0 : i32
      %dma_wait3A_82 = tpu.memref_slice %arg2[%dma_wait3A_80, %dma_wait3A_81] : memref<10240x128xf32, #tpu.memory_space<hbm>> -> memref<10240x128xf32, #tpu.memory_space<hbm>>
      tpu.wait_indirect_dma semaphore(%arg10 : memref<!tpu.dma_semaphore, #tpu.memory_space<semaphore_mem>>) src(%dma_wait3A_82 : memref<10240x128xf32, #tpu.memory_space<hbm>>) dst(%arg9 : memref<128x128xf32, #tpu.memory_space<vmem>>)
      %run_scoped3A_83 = arith.constant 1 : i32
      "tpu.region"() ({
        %run_scoped3A_125 = tpu.sem_alloc : memref<!tpu.dma_semaphore, #tpu.memory_space<semaphore_mem>>
        %dma_start3A_126 = arith.constant 0 : i32
        %dma_start3A_127 = tpu.memref_slice %arg7[%run_scoped3A_83, %dma_start3A_126] : memref<2x128xi32, #tpu.memory_space<vmem>> -> memref<1x128xi32, #tpu.memory_space<vmem>>
        %dma_start3A_128 = tpu.memref_squeeze %dma_start3A_127 : memref<1x128xi32, #tpu.memory_space<vmem>> -> memref<128xi32, #tpu.memory_space<vmem>>
        %dma_start3A_129 = arith.constant 0 : i32
        %dma_start3A_130 = arith.constant 0 : i32
        %dma_start3A_131 = tpu.memref_slice %arg6[%dma_start3A_129, %dma_start3A_130] : memref<10240x128xf32, #tpu.memory_space<vmem_shared>> -> memref<10240x128xf32, #tpu.memory_space<vmem_shared>>
        tpu.enqueue_indirect_dma source(%arg9 : memref<128x128xf32, #tpu.memory_space<vmem>>) target(%dma_start3A_131 : memref<10240x128xf32, #tpu.memory_space<vmem_shared>>) offsets(%dma_start3A_128 : memref<128xi32, #tpu.memory_space<vmem>>) semaphore(%run_scoped3A_125 : memref<!tpu.dma_semaphore, #tpu.memory_space<semaphore_mem>>) {add = true}
        %dma_wait3A_132 = arith.constant 0 : i32
        %dma_wait3A_133 = tpu.memref_slice %arg7[%run_scoped3A_83, %dma_wait3A_132] : memref<2x128xi32, #tpu.memory_space<vmem>> -> memref<1x128xi32, #tpu.memory_space<vmem>>
        %dma_wait3A_134 = tpu.memref_squeeze %dma_wait3A_133 : memref<1x128xi32, #tpu.memory_space<vmem>> -> memref<128xi32, #tpu.memory_space<vmem>>
        %dma_wait3A_135 = arith.constant 0 : i32
        %dma_wait3A_136 = arith.constant 0 : i32
        %dma_wait3A_137 = tpu.memref_slice %arg6[%dma_wait3A_135, %dma_wait3A_136] : memref<10240x128xf32, #tpu.memory_space<vmem_shared>> -> memref<10240x128xf32, #tpu.memory_space<vmem_shared>>
        tpu.wait_indirect_dma semaphore(%run_scoped3A_125 : memref<!tpu.dma_semaphore, #tpu.memory_space<semaphore_mem>>) src(%arg9 : memref<128x128xf32, #tpu.memory_space<vmem>>) dst(%dma_wait3A_137 : memref<10240x128xf32, #tpu.memory_space<vmem_shared>>)
        tpu.yield
      }) : () -> ()
      %mul3A_84 = arith.constant 2 : i32
      %mul3A_85 = arith.muli %mul3A_84, %scan3A_44 : i32
      %add3A_86 = arith.addi %mul3A_2, %mul3A_85 : i32
      %add3A_87 = arith.constant 2 : i32
      %add3A_88 = arith.addi %add3A_86, %add3A_87 : i32
      %dma_start3A_89 = arith.constant 0 : i32
      %dma_start3A_90 = arith.constant 0 : i32
      %dma_start3A_91 = tpu.memref_slice %arg3[%add3A_88, %dma_start3A_89, %dma_start3A_90] : memref<2528x2x128xi32, #tpu.memory_space<hbm>> -> memref<1x2x128xi32, #tpu.memory_space<hbm>>
      %dma_start3A_92 = tpu.memref_squeeze %dma_start3A_91 : memref<1x2x128xi32, #tpu.memory_space<hbm>> -> memref<2x128xi32, #tpu.memory_space<hbm>>
      %dma_start3A_93 = arith.constant 0 : i32
      %dma_start3A_94 = arith.constant 0 : i32
      %dma_start3A_95 = tpu.memref_slice %arg3[%add3A_88, %dma_start3A_93, %dma_start3A_94] : memref<2528x2x128xi32, #tpu.memory_space<hbm>> -> memref<1x2x128xi32, #tpu.memory_space<hbm>>
      %dma_start3A_96 = tpu.memref_squeeze %dma_start3A_95 : memref<1x2x128xi32, #tpu.memory_space<hbm>> -> memref<2x128xi32, #tpu.memory_space<hbm>>
      tpu.enqueue_dma source(%dma_start3A_96 : memref<2x128xi32, #tpu.memory_space<hbm>>) target(%arg7 : memref<2x128xi32, #tpu.memory_space<vmem>>) target_semaphore(%arg11 : memref<!tpu.dma_semaphore, #tpu.memory_space<semaphore_mem>>)
      %mul3A_97 = arith.constant 2 : i32
      %mul3A_98 = arith.muli %mul3A_97, %scan3A_44 : i32
      %add3A_99 = arith.addi %mul3A_2, %mul3A_98 : i32
      %add3A_100 = arith.constant 1 : i32
      %add3A_101 = arith.addi %add3A_99, %add3A_100 : i32
      %dma_wait3A_102 = arith.constant 0 : i32
      %dma_wait3A_103 = arith.constant 0 : i32
      %dma_wait3A_104 = tpu.memref_slice %arg3[%add3A_101, %dma_wait3A_102, %dma_wait3A_103] : memref<2528x2x128xi32, #tpu.memory_space<hbm>> -> memref<1x2x128xi32, #tpu.memory_space<hbm>>
      %dma_wait3A_105 = tpu.memref_squeeze %dma_wait3A_104 : memref<1x2x128xi32, #tpu.memory_space<hbm>> -> memref<2x128xi32, #tpu.memory_space<hbm>>
      %dma_wait3A_106 = arith.constant 0 : i32
      %dma_wait3A_107 = arith.constant 0 : i32
      %dma_wait3A_108 = tpu.memref_slice %arg3[%add3A_101, %dma_wait3A_106, %dma_wait3A_107] : memref<2528x2x128xi32, #tpu.memory_space<hbm>> -> memref<1x2x128xi32, #tpu.memory_space<hbm>>
      %dma_wait3A_109 = tpu.memref_squeeze %dma_wait3A_108 : memref<1x2x128xi32, #tpu.memory_space<hbm>> -> memref<2x128xi32, #tpu.memory_space<hbm>>
      tpu.wait_dma2 semaphore(%arg12 : memref<!tpu.dma_semaphore, #tpu.memory_space<semaphore_mem>>) src(%dma_wait3A_109 : memref<2x128xi32, #tpu.memory_space<hbm>>) dst(%arg8 : memref<2x128xi32, #tpu.memory_space<vmem>>)
      %dma_start3A_110 = arith.constant 0 : i32
      %dma_start3A_111 = arith.constant 0 : i32
      %dma_start3A_112 = tpu.memref_slice %arg8[%dma_start3A_110, %dma_start3A_111] : memref<2x128xi32, #tpu.memory_space<vmem>> -> memref<1x128xi32, #tpu.memory_space<vmem>>
      %dma_start3A_113 = tpu.memref_squeeze %dma_start3A_112 : memref<1x128xi32, #tpu.memory_space<vmem>> -> memref<128xi32, #tpu.memory_space<vmem>>
      %dma_start3A_114 = arith.constant 0 : i32
      %dma_start3A_115 = arith.constant 0 : i32
      %dma_start3A_116 = tpu.memref_slice %arg2[%dma_start3A_114, %dma_start3A_115] : memref<10240x128xf32, #tpu.memory_space<hbm>> -> memref<10240x128xf32, #tpu.memory_space<hbm>>
      tpu.enqueue_indirect_dma source(%dma_start3A_116 : memref<10240x128xf32, #tpu.memory_space<hbm>>) target(%arg9 : memref<128x128xf32, #tpu.memory_space<vmem>>) offsets(%dma_start3A_113 : memref<128xi32, #tpu.memory_space<vmem>>) semaphore(%arg10 : memref<!tpu.dma_semaphore, #tpu.memory_space<semaphore_mem>>)
      %dma_wait3A_117 = arith.constant 0 : i32
      %dma_wait3A_118 = arith.constant 0 : i32
      %dma_wait3A_119 = tpu.memref_slice %arg8[%dma_wait3A_117, %dma_wait3A_118] : memref<2x128xi32, #tpu.memory_space<vmem>> -> memref<1x128xi32, #tpu.memory_space<vmem>>
      %dma_wait3A_120 = tpu.memref_squeeze %dma_wait3A_119 : memref<1x128xi32, #tpu.memory_space<vmem>> -> memref<128xi32, #tpu.memory_space<vmem>>
      %dma_wait3A_121 = arith.constant 0 : i32
      %dma_wait3A_122 = arith.constant 0 : i32
      %dma_wait3A_123 = tpu.memref_slice %arg2[%dma_wait3A_121, %dma_wait3A_122] : memref<10240x128xf32, #tpu.memory_space<hbm>> -> memref<10240x128xf32, #tpu.memory_space<hbm>>
      tpu.wait_indirect_dma semaphore(%arg10 : memref<!tpu.dma_semaphore, #tpu.memory_space<semaphore_mem>>) src(%dma_wait3A_123 : memref<10240x128xf32, #tpu.memory_space<hbm>>) dst(%arg9 : memref<128x128xf32, #tpu.memory_space<vmem>>)
      %run_scoped3A_124 = arith.constant 1 : i32
      "tpu.region"() ({
        %run_scoped3A_125 = tpu.sem_alloc : memref<!tpu.dma_semaphore, #tpu.memory_space<semaphore_mem>>
        %dma_start3A_126 = arith.constant 0 : i32
        %dma_start3A_127 = tpu.memref_slice %arg8[%run_scoped3A_124, %dma_start3A_126] : memref<2x128xi32, #tpu.memory_space<vmem>> -> memref<1x128xi32, #tpu.memory_space<vmem>>
        %dma_start3A_128 = tpu.memref_squeeze %dma_start3A_127 : memref<1x128xi32, #tpu.memory_space<vmem>> -> memref<128xi32, #tpu.memory_space<vmem>>
        %dma_start3A_129 = arith.constant 0 : i32
        %dma_start3A_130 = arith.constant 0 : i32
        %dma_start3A_131 = tpu.memref_slice %arg6[%dma_start3A_129, %dma_start3A_130] : memref<10240x128xf32, #tpu.memory_space<vmem_shared>> -> memref<10240x128xf32, #tpu.memory_space<vmem_shared>>
        tpu.enqueue_indirect_dma source(%arg9 : memref<128x128xf32, #tpu.memory_space<vmem>>) target(%dma_start3A_131 : memref<10240x128xf32, #tpu.memory_space<vmem_shared>>) offsets(%dma_start3A_128 : memref<128xi32, #tpu.memory_space<vmem>>) semaphore(%run_scoped3A_125 : memref<!tpu.dma_semaphore, #tpu.memory_space<semaphore_mem>>) {add = true}
        %dma_wait3A_132 = arith.constant 0 : i32
        %dma_wait3A_133 = tpu.memref_slice %arg8[%run_scoped3A_124, %dma_wait3A_132] : memref<2x128xi32, #tpu.memory_space<vmem>> -> memref<1x128xi32, #tpu.memory_space<vmem>>
        %dma_wait3A_134 = tpu.memref_squeeze %dma_wait3A_133 : memref<1x128xi32, #tpu.memory_space<vmem>> -> memref<128xi32, #tpu.memory_space<vmem>>
        %dma_wait3A_135 = arith.constant 0 : i32
        %dma_wait3A_136 = arith.constant 0 : i32
        %dma_wait3A_137 = tpu.memref_slice %arg6[%dma_wait3A_135, %dma_wait3A_136] : memref<10240x128xf32, #tpu.memory_space<vmem_shared>> -> memref<10240x128xf32, #tpu.memory_space<vmem_shared>>
        tpu.wait_indirect_dma semaphore(%run_scoped3A_125 : memref<!tpu.dma_semaphore, #tpu.memory_space<semaphore_mem>>) src(%arg9 : memref<128x128xf32, #tpu.memory_space<vmem>>) dst(%dma_wait3A_137 : memref<10240x128xf32, #tpu.memory_space<vmem_shared>>)
        tpu.yield
      }) : () -> ()
    }
    %scan3A_16 = arith.constant 39 : i32
    %add3A_17 = arith.constant 79 : i32
    %add3A_18 = arith.addi %mul3A_2, %add3A_17 : i32
    %sub3A = arith.constant 1 : i32
    %sub3A_19 = arith.subi %add3A_18, %sub3A : i32
    %dma_wait3A = arith.constant 0 : i32
    %dma_wait3A_20 = arith.constant 0 : i32
    %dma_wait3A_21 = tpu.memref_slice %arg3[%sub3A_19, %dma_wait3A, %dma_wait3A_20] : memref<2528x2x128xi32, #tpu.memory_space<hbm>> -> memref<1x2x128xi32, #tpu.memory_space<hbm>>
    %dma_wait3A_22 = tpu.memref_squeeze %dma_wait3A_21 : memref<1x2x128xi32, #tpu.memory_space<hbm>> -> memref<2x128xi32, #tpu.memory_space<hbm>>
    %dma_wait3A_23 = arith.constant 0 : i32
    %dma_wait3A_24 = arith.constant 0 : i32
    %dma_wait3A_25 = tpu.memref_slice %arg3[%sub3A_19, %dma_wait3A_23, %dma_wait3A_24] : memref<2528x2x128xi32, #tpu.memory_space<hbm>> -> memref<1x2x128xi32, #tpu.memory_space<hbm>>
    %dma_wait3A_26 = tpu.memref_squeeze %dma_wait3A_25 : memref<1x2x128xi32, #tpu.memory_space<hbm>> -> memref<2x128xi32, #tpu.memory_space<hbm>>
    tpu.wait_dma2 semaphore(%arg11 : memref<!tpu.dma_semaphore, #tpu.memory_space<semaphore_mem>>) src(%dma_wait3A_26 : memref<2x128xi32, #tpu.memory_space<hbm>>) dst(%arg7 : memref<2x128xi32, #tpu.memory_space<vmem>>)
    %dma_start3A_27 = arith.constant 0 : i32
    %dma_start3A_28 = arith.constant 0 : i32
    %dma_start3A_29 = tpu.memref_slice %arg7[%dma_start3A_27, %dma_start3A_28] : memref<2x128xi32, #tpu.memory_space<vmem>> -> memref<1x128xi32, #tpu.memory_space<vmem>>
    %dma_start3A_30 = tpu.memref_squeeze %dma_start3A_29 : memref<1x128xi32, #tpu.memory_space<vmem>> -> memref<128xi32, #tpu.memory_space<vmem>>
    %dma_start3A_31 = arith.constant 0 : i32
    %dma_start3A_32 = arith.constant 0 : i32
    %dma_start3A_33 = tpu.memref_slice %arg2[%dma_start3A_31, %dma_start3A_32] : memref<10240x128xf32, #tpu.memory_space<hbm>> -> memref<10240x128xf32, #tpu.memory_space<hbm>>
    tpu.enqueue_indirect_dma source(%dma_start3A_33 : memref<10240x128xf32, #tpu.memory_space<hbm>>) target(%arg9 : memref<128x128xf32, #tpu.memory_space<vmem>>) offsets(%dma_start3A_30 : memref<128xi32, #tpu.memory_space<vmem>>) semaphore(%arg10 : memref<!tpu.dma_semaphore, #tpu.memory_space<semaphore_mem>>)
    %dma_wait3A_34 = arith.constant 0 : i32
    %dma_wait3A_35 = arith.constant 0 : i32
    %dma_wait3A_36 = tpu.memref_slice %arg7[%dma_wait3A_34, %dma_wait3A_35] : memref<2x128xi32, #tpu.memory_space<vmem>> -> memref<1x128xi32, #tpu.memory_space<vmem>>
    %dma_wait3A_37 = tpu.memref_squeeze %dma_wait3A_36 : memref<1x128xi32, #tpu.memory_space<vmem>> -> memref<128xi32, #tpu.memory_space<vmem>>
    %dma_wait3A_38 = arith.constant 0 : i32
    %dma_wait3A_39 = arith.constant 0 : i32
    %dma_wait3A_40 = tpu.memref_slice %arg2[%dma_wait3A_38, %dma_wait3A_39] : memref<10240x128xf32, #tpu.memory_space<hbm>> -> memref<10240x128xf32, #tpu.memory_space<hbm>>
    tpu.wait_indirect_dma semaphore(%arg10 : memref<!tpu.dma_semaphore, #tpu.memory_space<semaphore_mem>>) src(%dma_wait3A_40 : memref<10240x128xf32, #tpu.memory_space<hbm>>) dst(%arg9 : memref<128x128xf32, #tpu.memory_space<vmem>>)
    %run_scoped3A = arith.constant 1 : i32
    "tpu.region"() ({
      %run_scoped3A_44 = tpu.sem_alloc : memref<!tpu.dma_semaphore, #tpu.memory_space<semaphore_mem>>
      %dma_start3A_45 = arith.constant 0 : i32
      %dma_start3A_46 = tpu.memref_slice %arg7[%run_scoped3A, %dma_start3A_45] : memref<2x128xi32, #tpu.memory_space<vmem>> -> memref<1x128xi32, #tpu.memory_space<vmem>>
      %dma_start3A_47 = tpu.memref_squeeze %dma_start3A_46 : memref<1x128xi32, #tpu.memory_space<vmem>> -> memref<128xi32, #tpu.memory_space<vmem>>
      %dma_start3A_48 = arith.constant 0 : i32
      %dma_start3A_49 = arith.constant 0 : i32
      %dma_start3A_50 = tpu.memref_slice %arg6[%dma_start3A_48, %dma_start3A_49] : memref<10240x128xf32, #tpu.memory_space<vmem_shared>> -> memref<10240x128xf32, #tpu.memory_space<vmem_shared>>
      tpu.enqueue_indirect_dma source(%arg9 : memref<128x128xf32, #tpu.memory_space<vmem>>) target(%dma_start3A_50 : memref<10240x128xf32, #tpu.memory_space<vmem_shared>>) offsets(%dma_start3A_47 : memref<128xi32, #tpu.memory_space<vmem>>) semaphore(%run_scoped3A_44 : memref<!tpu.dma_semaphore, #tpu.memory_space<semaphore_mem>>) {add = true}
      %dma_wait3A_51 = arith.constant 0 : i32
      %dma_wait3A_52 = tpu.memref_slice %arg7[%run_scoped3A, %dma_wait3A_51] : memref<2x128xi32, #tpu.memory_space<vmem>> -> memref<1x128xi32, #tpu.memory_space<vmem>>
      %dma_wait3A_53 = tpu.memref_squeeze %dma_wait3A_52 : memref<1x128xi32, #tpu.memory_space<vmem>> -> memref<128xi32, #tpu.memory_space<vmem>>
      %dma_wait3A_54 = arith.constant 0 : i32
      %dma_wait3A_55 = arith.constant 0 : i32
      %dma_wait3A_56 = tpu.memref_slice %arg6[%dma_wait3A_54, %dma_wait3A_55] : memref<10240x128xf32, #tpu.memory_space<vmem_shared>> -> memref<10240x128xf32, #tpu.memory_space<vmem_shared>>
      tpu.wait_indirect_dma semaphore(%run_scoped3A_44 : memref<!tpu.dma_semaphore, #tpu.memory_space<semaphore_mem>>) src(%arg9 : memref<128x128xf32, #tpu.memory_space<vmem>>) dst(%dma_wait3A_56 : memref<10240x128xf32, #tpu.memory_space<vmem_shared>>)
      tpu.yield
    }) : () -> ()
    %barrier3A_41 = arith.constant 0 : index
    tpu.barrier barrier_id(%barrier3A_41)
    %mul3A_42 = arith.constant 640 : i32
    %mul3A_43 = arith.muli %arg1, %mul3A_42 : i32
    "tpu.region"() ({
      %run_scoped3A_44 = tpu.sem_alloc : memref<!tpu.dma_semaphore, #tpu.memory_space<semaphore_mem>>
      %dma_start3A_45 = arith.constant 0 : i32
      %dma_start3A_46 = tpu.memref_slice %arg5[%arg0, %mul3A_43, %dma_start3A_45] : memref<2x10240x128xf32, #tpu.memory_space<hbm>> -> memref<1x640x128xf32, #tpu.memory_space<hbm>>
      %dma_start3A_47 = tpu.memref_squeeze %dma_start3A_46 : memref<1x640x128xf32, #tpu.memory_space<hbm>> -> memref<640x128xf32, #tpu.memory_space<hbm>>
      %dma_start3A_48 = arith.constant 0 : i32
      %dma_start3A_49 = tpu.memref_slice %arg6[%mul3A_43, %dma_start3A_48] : memref<10240x128xf32, #tpu.memory_space<vmem_shared>> -> memref<640x128xf32, #tpu.memory_space<vmem_shared>>
      tpu.enqueue_dma source(%dma_start3A_49 : memref<640x128xf32, #tpu.memory_space<vmem_shared>>) target(%dma_start3A_47 : memref<640x128xf32, #tpu.memory_space<hbm>>) target_semaphore(%run_scoped3A_44 : memref<!tpu.dma_semaphore, #tpu.memory_space<semaphore_mem>>)
      %dma_wait3A_50 = arith.constant 0 : i32
      %dma_wait3A_51 = tpu.memref_slice %arg5[%arg0, %mul3A_43, %dma_wait3A_50] : memref<2x10240x128xf32, #tpu.memory_space<hbm>> -> memref<1x640x128xf32, #tpu.memory_space<hbm>>
      %dma_wait3A_52 = tpu.memref_squeeze %dma_wait3A_51 : memref<1x640x128xf32, #tpu.memory_space<hbm>> -> memref<640x128xf32, #tpu.memory_space<hbm>>
      %dma_wait3A_53 = arith.constant 0 : i32
      %dma_wait3A_54 = tpu.memref_slice %arg6[%mul3A_43, %dma_wait3A_53] : memref<10240x128xf32, #tpu.memory_space<vmem_shared>> -> memref<640x128xf32, #tpu.memory_space<vmem_shared>>
      tpu.wait_dma2 semaphore(%run_scoped3A_44 : memref<!tpu.dma_semaphore, #tpu.memory_space<semaphore_mem>>) src(%dma_wait3A_54 : memref<640x128xf32, #tpu.memory_space<vmem_shared>>) dst(%dma_wait3A_52 : memref<640x128xf32, #tpu.memory_space<hbm>>)
      tpu.yield
    }) : () -> ()
    return
  }
}

#map = affine_map<(d0, d1) -> (0, 0)>
#map1 = affine_map<(d0, d1) -> (0, 0, 0)>
module attributes {stable_mosaic.version = 14 : i64} {
  func.func @sc_segsum(%arg0: i32, %arg1: i32, %arg2: memref<10240x128xf32, #tpu.memory_space<hbm>>, %arg3: memref<2528x2x128xi32, #tpu.memory_space<hbm>>, %arg4: memref<640x128xf32, #tpu.memory_space<hbm>>, %arg5: memref<2x10240x128xf32, #tpu.memory_space<hbm>>, %arg6: memref<10240x128xf32, #tpu.memory_space<vmem_shared>>, %arg7: memref<2x128xi32, #tpu.memory_space<vmem>>, %arg8: memref<2x128xi32, #tpu.memory_space<vmem>>, %arg9: memref<128x128xf32, #tpu.memory_space<vmem>>, %arg10: memref<!tpu.dma_semaphore, #tpu.memory_space<semaphore_mem>>, %arg11: memref<!tpu.dma_semaphore, #tpu.memory_space<semaphore_mem>>, %arg12: memref<!tpu.dma_semaphore, #tpu.memory_space<semaphore_mem>>) attributes {dimension_semantics = [#tpu.dimension_semantics<core_parallel>, #tpu.dimension_semantics<subcore_parallel>], iteration_bounds = array<i64: 2, 16>, scalar_prefetch = 0 : i64, scratch_operands = 7 : i64, tpu.core_type = #tpu.core_type<sc_vector_subcore>, window_params = [{transform_indices = #map}, {transform_indices = #map1}, {transform_indices = #map}, {transform_indices = #map1}]} {
    %mul3A = arith.constant 16 : i32
    %mul3A_0 = arith.muli %arg0, %mul3A : i32
    %add3A = arith.addi %mul3A_0, %arg1 : i32
    %mul3A_1 = arith.constant 79 : i32
    %mul3A_2 = arith.muli %add3A, %mul3A_1 : i32
    %mul3A_3 = arith.constant 640 : i32
    %mul3A_4 = arith.muli %arg1, %mul3A_3 : i32
    "tpu.region"() ({
      %run_scoped3A_44 = tpu.sem_alloc : memref<!tpu.dma_semaphore, #tpu.memory_space<semaphore_mem>>
      %dma_start3A_45 = arith.constant 0 : i32
      %dma_start3A_46 = tpu.memref_slice %arg6[%mul3A_4, %dma_start3A_45] : memref<10240x128xf32, #tpu.memory_space<vmem_shared>> -> memref<640x128xf32, #tpu.memory_space<vmem_shared>>
      tpu.enqueue_dma source(%arg4 : memref<640x128xf32, #tpu.memory_space<hbm>>) target(%dma_start3A_46 : memref<640x128xf32, #tpu.memory_space<vmem_shared>>) target_semaphore(%run_scoped3A_44 : memref<!tpu.dma_semaphore, #tpu.memory_space<semaphore_mem>>)
      %dma_wait3A_47 = arith.constant 0 : i32
      %dma_wait3A_48 = tpu.memref_slice %arg6[%mul3A_4, %dma_wait3A_47] : memref<10240x128xf32, #tpu.memory_space<vmem_shared>> -> memref<640x128xf32, #tpu.memory_space<vmem_shared>>
      tpu.wait_dma2 semaphore(%run_scoped3A_44 : memref<!tpu.dma_semaphore, #tpu.memory_space<semaphore_mem>>) src(%arg4 : memref<640x128xf32, #tpu.memory_space<hbm>>) dst(%dma_wait3A_48 : memref<640x128xf32, #tpu.memory_space<vmem_shared>>)
      tpu.yield
    }) : () -> ()
    %barrier3A = arith.constant 0 : index
    tpu.barrier barrier_id(%barrier3A)
    %dma_start3A = arith.constant 0 : i32
    %dma_start3A_5 = arith.constant 0 : i32
    %dma_start3A_6 = tpu.memref_slice %arg3[%mul3A_2, %dma_start3A, %dma_start3A_5] : memref<2528x2x128xi32, #tpu.memory_space<hbm>> -> memref<1x2x128xi32, #tpu.memory_space<hbm>>
    %dma_start3A_7 = tpu.memref_squeeze %dma_start3A_6 : memref<1x2x128xi32, #tpu.memory_space<hbm>> -> memref<2x128xi32, #tpu.memory_space<hbm>>
    %dma_start3A_8 = arith.constant 0 : i32
    %dma_start3A_9 = arith.constant 0 : i32
    %dma_start3A_10 = tpu.memref_slice %arg3[%mul3A_2, %dma_start3A_8, %dma_start3A_9] : memref<2528x2x128xi32, #tpu.memory_space<hbm>> -> memref<1x2x128xi32, #tpu.memory_space<hbm>>
    %dma_start3A_11 = tpu.memref_squeeze %dma_start3A_10 : memref<1x2x128xi32, #tpu.memory_space<hbm>> -> memref<2x128xi32, #tpu.memory_space<hbm>>
    tpu.enqueue_dma source(%dma_start3A_11 : memref<2x128xi32, #tpu.memory_space<hbm>>) target(%arg7 : memref<2x128xi32, #tpu.memory_space<vmem>>) target_semaphore(%arg11 : memref<!tpu.dma_semaphore, #tpu.memory_space<semaphore_mem>>)
    %scan3A = arith.constant 0 : i32
    %scan3A_12 = arith.constant 0 : i32
    %scan3A_13 = arith.constant 39 : i32
    %scan3A_14 = arith.addi %scan3A_12, %scan3A_13 : i32
    %scan3A_15 = arith.constant 1 : i32
    scf.for %scan3A_44 = %scan3A_12 to %scan3A_14 step %scan3A_15  : i32 {
      %mul3A_45 = arith.constant 2 : i32
      %mul3A_46 = arith.muli %mul3A_45, %scan3A_44 : i32
      %add3A_47 = arith.addi %mul3A_2, %mul3A_46 : i32
      %add3A_48 = arith.constant 1 : i32
      %add3A_49 = arith.addi %add3A_47, %add3A_48 : i32
      %dma_start3A_50 = arith.constant 0 : i32
      %dma_start3A_51 = arith.constant 0 : i32
      %dma_start3A_52 = tpu.memref_slice %arg3[%add3A_49, %dma_start3A_50, %dma_start3A_51] : memref<2528x2x128xi32, #tpu.memory_space<hbm>> -> memref<1x2x128xi32, #tpu.memory_space<hbm>>
      %dma_start3A_53 = tpu.memref_squeeze %dma_start3A_52 : memref<1x2x128xi32, #tpu.memory_space<hbm>> -> memref<2x128xi32, #tpu.memory_space<hbm>>
      %dma_start3A_54 = arith.constant 0 : i32
      %dma_start3A_55 = arith.constant 0 : i32
      %dma_start3A_56 = tpu.memref_slice %arg3[%add3A_49, %dma_start3A_54, %dma_start3A_55] : memref<2528x2x128xi32, #tpu.memory_space<hbm>> -> memref<1x2x128xi32, #tpu.memory_space<hbm>>
      %dma_start3A_57 = tpu.memref_squeeze %dma_start3A_56 : memref<1x2x128xi32, #tpu.memory_space<hbm>> -> memref<2x128xi32, #tpu.memory_space<hbm>>
      tpu.enqueue_dma source(%dma_start3A_57 : memref<2x128xi32, #tpu.memory_space<hbm>>) target(%arg8 : memref<2x128xi32, #tpu.memory_space<vmem>>) target_semaphore(%arg12 : memref<!tpu.dma_semaphore, #tpu.memory_space<semaphore_mem>>)
      %mul3A_58 = arith.constant 2 : i32
      %mul3A_59 = arith.muli %mul3A_58, %scan3A_44 : i32
      %add3A_60 = arith.addi %mul3A_2, %mul3A_59 : i32
      %dma_wait3A_61 = arith.constant 0 : i32
      %dma_wait3A_62 = arith.constant 0 : i32
      %dma_wait3A_63 = tpu.memref_slice %arg3[%add3A_60, %dma_wait3A_61, %dma_wait3A_62] : memref<2528x2x128xi32, #tpu.memory_space<hbm>> -> memref<1x2x128xi32, #tpu.memory_space<hbm>>
      %dma_wait3A_64 = tpu.memref_squeeze %dma_wait3A_63 : memref<1x2x128xi32, #tpu.memory_space<hbm>> -> memref<2x128xi32, #tpu.memory_space<hbm>>
      %dma_wait3A_65 = arith.constant 0 : i32
      %dma_wait3A_66 = arith.constant 0 : i32
      %dma_wait3A_67 = tpu.memref_slice %arg3[%add3A_60, %dma_wait3A_65, %dma_wait3A_66] : memref<2528x2x128xi32, #tpu.memory_space<hbm>> -> memref<1x2x128xi32, #tpu.memory_space<hbm>>
      %dma_wait3A_68 = tpu.memref_squeeze %dma_wait3A_67 : memref<1x2x128xi32, #tpu.memory_space<hbm>> -> memref<2x128xi32, #tpu.memory_space<hbm>>
      tpu.wait_dma2 semaphore(%arg11 : memref<!tpu.dma_semaphore, #tpu.memory_space<semaphore_mem>>) src(%dma_wait3A_68 : memref<2x128xi32, #tpu.memory_space<hbm>>) dst(%arg7 : memref<2x128xi32, #tpu.memory_space<vmem>>)
      %dma_start3A_69 = arith.constant 0 : i32
      %dma_start3A_70 = arith.constant 0 : i32
      %dma_start3A_71 = tpu.memref_slice %arg7[%dma_start3A_69, %dma_start3A_70] : memref<2x128xi32, #tpu.memory_space<vmem>> -> memref<1x128xi32, #tpu.memory_space<vmem>>
      %dma_start3A_72 = tpu.memref_squeeze %dma_start3A_71 : memref<1x128xi32, #tpu.memory_space<vmem>> -> memref<128xi32, #tpu.memory_space<vmem>>
      %dma_start3A_73 = arith.constant 0 : i32
      %dma_start3A_74 = arith.constant 0 : i32
      %dma_start3A_75 = tpu.memref_slice %arg2[%dma_start3A_73, %dma_start3A_74] : memref<10240x128xf32, #tpu.memory_space<hbm>> -> memref<10240x128xf32, #tpu.memory_space<hbm>>
      tpu.enqueue_indirect_dma source(%dma_start3A_75 : memref<10240x128xf32, #tpu.memory_space<hbm>>) target(%arg9 : memref<128x128xf32, #tpu.memory_space<vmem>>) offsets(%dma_start3A_72 : memref<128xi32, #tpu.memory_space<vmem>>) semaphore(%arg10 : memref<!tpu.dma_semaphore, #tpu.memory_space<semaphore_mem>>)
      %dma_wait3A_76 = arith.constant 0 : i32
      %dma_wait3A_77 = arith.constant 0 : i32
      %dma_wait3A_78 = tpu.memref_slice %arg7[%dma_wait3A_76, %dma_wait3A_77] : memref<2x128xi32, #tpu.memory_space<vmem>> -> memref<1x128xi32, #tpu.memory_space<vmem>>
      %dma_wait3A_79 = tpu.memref_squeeze %dma_wait3A_78 : memref<1x128xi32, #tpu.memory_space<vmem>> -> memref<128xi32, #tpu.memory_space<vmem>>
      %dma_wait3A_80 = arith.constant 0 : i32
      %dma_wait3A_81 = arith.constant 0 : i32
      %dma_wait3A_82 = tpu.memref_slice %arg2[%dma_wait3A_80, %dma_wait3A_81] : memref<10240x128xf32, #tpu.memory_space<hbm>> -> memref<10240x128xf32, #tpu.memory_space<hbm>>
      tpu.wait_indirect_dma semaphore(%arg10 : memref<!tpu.dma_semaphore, #tpu.memory_space<semaphore_mem>>) src(%dma_wait3A_82 : memref<10240x128xf32, #tpu.memory_space<hbm>>) dst(%arg9 : memref<128x128xf32, #tpu.memory_space<vmem>>)
      %run_scoped3A_83 = arith.constant 1 : i32
      "tpu.region"() ({
        %run_scoped3A_125 = tpu.sem_alloc : memref<!tpu.dma_semaphore, #tpu.memory_space<semaphore_mem>>
        %dma_start3A_126 = arith.constant 0 : i32
        %dma_start3A_127 = tpu.memref_slice %arg7[%run_scoped3A_83, %dma_start3A_126] : memref<2x128xi32, #tpu.memory_space<vmem>> -> memref<1x128xi32, #tpu.memory_space<vmem>>
        %dma_start3A_128 = tpu.memref_squeeze %dma_start3A_127 : memref<1x128xi32, #tpu.memory_space<vmem>> -> memref<128xi32, #tpu.memory_space<vmem>>
        %dma_start3A_129 = arith.constant 0 : i32
        %dma_start3A_130 = arith.constant 0 : i32
        %dma_start3A_131 = tpu.memref_slice %arg6[%dma_start3A_129, %dma_start3A_130] : memref<10240x128xf32, #tpu.memory_space<vmem_shared>> -> memref<10240x128xf32, #tpu.memory_space<vmem_shared>>
        tpu.enqueue_indirect_dma source(%arg9 : memref<128x128xf32, #tpu.memory_space<vmem>>) target(%dma_start3A_131 : memref<10240x128xf32, #tpu.memory_space<vmem_shared>>) offsets(%dma_start3A_128 : memref<128xi32, #tpu.memory_space<vmem>>) semaphore(%run_scoped3A_125 : memref<!tpu.dma_semaphore, #tpu.memory_space<semaphore_mem>>) {add = true}
        %dma_wait3A_132 = arith.constant 0 : i32
        %dma_wait3A_133 = tpu.memref_slice %arg7[%run_scoped3A_83, %dma_wait3A_132] : memref<2x128xi32, #tpu.memory_space<vmem>> -> memref<1x128xi32, #tpu.memory_space<vmem>>
        %dma_wait3A_134 = tpu.memref_squeeze %dma_wait3A_133 : memref<1x128xi32, #tpu.memory_space<vmem>> -> memref<128xi32, #tpu.memory_space<vmem>>
        %dma_wait3A_135 = arith.constant 0 : i32
        %dma_wait3A_136 = arith.constant 0 : i32
        %dma_wait3A_137 = tpu.memref_slice %arg6[%dma_wait3A_135, %dma_wait3A_136] : memref<10240x128xf32, #tpu.memory_space<vmem_shared>> -> memref<10240x128xf32, #tpu.memory_space<vmem_shared>>
        tpu.wait_indirect_dma semaphore(%run_scoped3A_125 : memref<!tpu.dma_semaphore, #tpu.memory_space<semaphore_mem>>) src(%arg9 : memref<128x128xf32, #tpu.memory_space<vmem>>) dst(%dma_wait3A_137 : memref<10240x128xf32, #tpu.memory_space<vmem_shared>>)
        tpu.yield
      }) : () -> ()
      %mul3A_84 = arith.constant 2 : i32
      %mul3A_85 = arith.muli %mul3A_84, %scan3A_44 : i32
      %add3A_86 = arith.addi %mul3A_2, %mul3A_85 : i32
      %add3A_87 = arith.constant 2 : i32
      %add3A_88 = arith.addi %add3A_86, %add3A_87 : i32
      %dma_start3A_89 = arith.constant 0 : i32
      %dma_start3A_90 = arith.constant 0 : i32
      %dma_start3A_91 = tpu.memref_slice %arg3[%add3A_88, %dma_start3A_89, %dma_start3A_90] : memref<2528x2x128xi32, #tpu.memory_space<hbm>> -> memref<1x2x128xi32, #tpu.memory_space<hbm>>
      %dma_start3A_92 = tpu.memref_squeeze %dma_start3A_91 : memref<1x2x128xi32, #tpu.memory_space<hbm>> -> memref<2x128xi32, #tpu.memory_space<hbm>>
      %dma_start3A_93 = arith.constant 0 : i32
      %dma_start3A_94 = arith.constant 0 : i32
      %dma_start3A_95 = tpu.memref_slice %arg3[%add3A_88, %dma_start3A_93, %dma_start3A_94] : memref<2528x2x128xi32, #tpu.memory_space<hbm>> -> memref<1x2x128xi32, #tpu.memory_space<hbm>>
      %dma_start3A_96 = tpu.memref_squeeze %dma_start3A_95 : memref<1x2x128xi32, #tpu.memory_space<hbm>> -> memref<2x128xi32, #tpu.memory_space<hbm>>
      tpu.enqueue_dma source(%dma_start3A_96 : memref<2x128xi32, #tpu.memory_space<hbm>>) target(%arg7 : memref<2x128xi32, #tpu.memory_space<vmem>>) target_semaphore(%arg11 : memref<!tpu.dma_semaphore, #tpu.memory_space<semaphore_mem>>)
      %mul3A_97 = arith.constant 2 : i32
      %mul3A_98 = arith.muli %mul3A_97, %scan3A_44 : i32
      %add3A_99 = arith.addi %mul3A_2, %mul3A_98 : i32
      %add3A_100 = arith.constant 1 : i32
      %add3A_101 = arith.addi %add3A_99, %add3A_100 : i32
      %dma_wait3A_102 = arith.constant 0 : i32
      %dma_wait3A_103 = arith.constant 0 : i32
      %dma_wait3A_104 = tpu.memref_slice %arg3[%add3A_101, %dma_wait3A_102, %dma_wait3A_103] : memref<2528x2x128xi32, #tpu.memory_space<hbm>> -> memref<1x2x128xi32, #tpu.memory_space<hbm>>
      %dma_wait3A_105 = tpu.memref_squeeze %dma_wait3A_104 : memref<1x2x128xi32, #tpu.memory_space<hbm>> -> memref<2x128xi32, #tpu.memory_space<hbm>>
      %dma_wait3A_106 = arith.constant 0 : i32
      %dma_wait3A_107 = arith.constant 0 : i32
      %dma_wait3A_108 = tpu.memref_slice %arg3[%add3A_101, %dma_wait3A_106, %dma_wait3A_107] : memref<2528x2x128xi32, #tpu.memory_space<hbm>> -> memref<1x2x128xi32, #tpu.memory_space<hbm>>
      %dma_wait3A_109 = tpu.memref_squeeze %dma_wait3A_108 : memref<1x2x128xi32, #tpu.memory_space<hbm>> -> memref<2x128xi32, #tpu.memory_space<hbm>>
      tpu.wait_dma2 semaphore(%arg12 : memref<!tpu.dma_semaphore, #tpu.memory_space<semaphore_mem>>) src(%dma_wait3A_109 : memref<2x128xi32, #tpu.memory_space<hbm>>) dst(%arg8 : memref<2x128xi32, #tpu.memory_space<vmem>>)
      %dma_start3A_110 = arith.constant 0 : i32
      %dma_start3A_111 = arith.constant 0 : i32
      %dma_start3A_112 = tpu.memref_slice %arg8[%dma_start3A_110, %dma_start3A_111] : memref<2x128xi32, #tpu.memory_space<vmem>> -> memref<1x128xi32, #tpu.memory_space<vmem>>
      %dma_start3A_113 = tpu.memref_squeeze %dma_start3A_112 : memref<1x128xi32, #tpu.memory_space<vmem>> -> memref<128xi32, #tpu.memory_space<vmem>>
      %dma_start3A_114 = arith.constant 0 : i32
      %dma_start3A_115 = arith.constant 0 : i32
      %dma_start3A_116 = tpu.memref_slice %arg2[%dma_start3A_114, %dma_start3A_115] : memref<10240x128xf32, #tpu.memory_space<hbm>> -> memref<10240x128xf32, #tpu.memory_space<hbm>>
      tpu.enqueue_indirect_dma source(%dma_start3A_116 : memref<10240x128xf32, #tpu.memory_space<hbm>>) target(%arg9 : memref<128x128xf32, #tpu.memory_space<vmem>>) offsets(%dma_start3A_113 : memref<128xi32, #tpu.memory_space<vmem>>) semaphore(%arg10 : memref<!tpu.dma_semaphore, #tpu.memory_space<semaphore_mem>>)
      %dma_wait3A_117 = arith.constant 0 : i32
      %dma_wait3A_118 = arith.constant 0 : i32
      %dma_wait3A_119 = tpu.memref_slice %arg8[%dma_wait3A_117, %dma_wait3A_118] : memref<2x128xi32, #tpu.memory_space<vmem>> -> memref<1x128xi32, #tpu.memory_space<vmem>>
      %dma_wait3A_120 = tpu.memref_squeeze %dma_wait3A_119 : memref<1x128xi32, #tpu.memory_space<vmem>> -> memref<128xi32, #tpu.memory_space<vmem>>
      %dma_wait3A_121 = arith.constant 0 : i32
      %dma_wait3A_122 = arith.constant 0 : i32
      %dma_wait3A_123 = tpu.memref_slice %arg2[%dma_wait3A_121, %dma_wait3A_122] : memref<10240x128xf32, #tpu.memory_space<hbm>> -> memref<10240x128xf32, #tpu.memory_space<hbm>>
      tpu.wait_indirect_dma semaphore(%arg10 : memref<!tpu.dma_semaphore, #tpu.memory_space<semaphore_mem>>) src(%dma_wait3A_123 : memref<10240x128xf32, #tpu.memory_space<hbm>>) dst(%arg9 : memref<128x128xf32, #tpu.memory_space<vmem>>)
      %run_scoped3A_124 = arith.constant 1 : i32
      "tpu.region"() ({
        %run_scoped3A_125 = tpu.sem_alloc : memref<!tpu.dma_semaphore, #tpu.memory_space<semaphore_mem>>
        %dma_start3A_126 = arith.constant 0 : i32
        %dma_start3A_127 = tpu.memref_slice %arg8[%run_scoped3A_124, %dma_start3A_126] : memref<2x128xi32, #tpu.memory_space<vmem>> -> memref<1x128xi32, #tpu.memory_space<vmem>>
        %dma_start3A_128 = tpu.memref_squeeze %dma_start3A_127 : memref<1x128xi32, #tpu.memory_space<vmem>> -> memref<128xi32, #tpu.memory_space<vmem>>
        %dma_start3A_129 = arith.constant 0 : i32
        %dma_start3A_130 = arith.constant 0 : i32
        %dma_start3A_131 = tpu.memref_slice %arg6[%dma_start3A_129, %dma_start3A_130] : memref<10240x128xf32, #tpu.memory_space<vmem_shared>> -> memref<10240x128xf32, #tpu.memory_space<vmem_shared>>
        tpu.enqueue_indirect_dma source(%arg9 : memref<128x128xf32, #tpu.memory_space<vmem>>) target(%dma_start3A_131 : memref<10240x128xf32, #tpu.memory_space<vmem_shared>>) offsets(%dma_start3A_128 : memref<128xi32, #tpu.memory_space<vmem>>) semaphore(%run_scoped3A_125 : memref<!tpu.dma_semaphore, #tpu.memory_space<semaphore_mem>>) {add = true}
        %dma_wait3A_132 = arith.constant 0 : i32
        %dma_wait3A_133 = tpu.memref_slice %arg8[%run_scoped3A_124, %dma_wait3A_132] : memref<2x128xi32, #tpu.memory_space<vmem>> -> memref<1x128xi32, #tpu.memory_space<vmem>>
        %dma_wait3A_134 = tpu.memref_squeeze %dma_wait3A_133 : memref<1x128xi32, #tpu.memory_space<vmem>> -> memref<128xi32, #tpu.memory_space<vmem>>
        %dma_wait3A_135 = arith.constant 0 : i32
        %dma_wait3A_136 = arith.constant 0 : i32
        %dma_wait3A_137 = tpu.memref_slice %arg6[%dma_wait3A_135, %dma_wait3A_136] : memref<10240x128xf32, #tpu.memory_space<vmem_shared>> -> memref<10240x128xf32, #tpu.memory_space<vmem_shared>>
        tpu.wait_indirect_dma semaphore(%run_scoped3A_125 : memref<!tpu.dma_semaphore, #tpu.memory_space<semaphore_mem>>) src(%arg9 : memref<128x128xf32, #tpu.memory_space<vmem>>) dst(%dma_wait3A_137 : memref<10240x128xf32, #tpu.memory_space<vmem_shared>>)
        tpu.yield
      }) : () -> ()
    }
    %scan3A_16 = arith.constant 39 : i32
    %add3A_17 = arith.constant 79 : i32
    %add3A_18 = arith.addi %mul3A_2, %add3A_17 : i32
    %sub3A = arith.constant 1 : i32
    %sub3A_19 = arith.subi %add3A_18, %sub3A : i32
    %dma_wait3A = arith.constant 0 : i32
    %dma_wait3A_20 = arith.constant 0 : i32
    %dma_wait3A_21 = tpu.memref_slice %arg3[%sub3A_19, %dma_wait3A, %dma_wait3A_20] : memref<2528x2x128xi32, #tpu.memory_space<hbm>> -> memref<1x2x128xi32, #tpu.memory_space<hbm>>
    %dma_wait3A_22 = tpu.memref_squeeze %dma_wait3A_21 : memref<1x2x128xi32, #tpu.memory_space<hbm>> -> memref<2x128xi32, #tpu.memory_space<hbm>>
    %dma_wait3A_23 = arith.constant 0 : i32
    %dma_wait3A_24 = arith.constant 0 : i32
    %dma_wait3A_25 = tpu.memref_slice %arg3[%sub3A_19, %dma_wait3A_23, %dma_wait3A_24] : memref<2528x2x128xi32, #tpu.memory_space<hbm>> -> memref<1x2x128xi32, #tpu.memory_space<hbm>>
    %dma_wait3A_26 = tpu.memref_squeeze %dma_wait3A_25 : memref<1x2x128xi32, #tpu.memory_space<hbm>> -> memref<2x128xi32, #tpu.memory_space<hbm>>
    tpu.wait_dma2 semaphore(%arg11 : memref<!tpu.dma_semaphore, #tpu.memory_space<semaphore_mem>>) src(%dma_wait3A_26 : memref<2x128xi32, #tpu.memory_space<hbm>>) dst(%arg7 : memref<2x128xi32, #tpu.memory_space<vmem>>)
    %dma_start3A_27 = arith.constant 0 : i32
    %dma_start3A_28 = arith.constant 0 : i32
    %dma_start3A_29 = tpu.memref_slice %arg7[%dma_start3A_27, %dma_start3A_28] : memref<2x128xi32, #tpu.memory_space<vmem>> -> memref<1x128xi32, #tpu.memory_space<vmem>>
    %dma_start3A_30 = tpu.memref_squeeze %dma_start3A_29 : memref<1x128xi32, #tpu.memory_space<vmem>> -> memref<128xi32, #tpu.memory_space<vmem>>
    %dma_start3A_31 = arith.constant 0 : i32
    %dma_start3A_32 = arith.constant 0 : i32
    %dma_start3A_33 = tpu.memref_slice %arg2[%dma_start3A_31, %dma_start3A_32] : memref<10240x128xf32, #tpu.memory_space<hbm>> -> memref<10240x128xf32, #tpu.memory_space<hbm>>
    tpu.enqueue_indirect_dma source(%dma_start3A_33 : memref<10240x128xf32, #tpu.memory_space<hbm>>) target(%arg9 : memref<128x128xf32, #tpu.memory_space<vmem>>) offsets(%dma_start3A_30 : memref<128xi32, #tpu.memory_space<vmem>>) semaphore(%arg10 : memref<!tpu.dma_semaphore, #tpu.memory_space<semaphore_mem>>)
    %dma_wait3A_34 = arith.constant 0 : i32
    %dma_wait3A_35 = arith.constant 0 : i32
    %dma_wait3A_36 = tpu.memref_slice %arg7[%dma_wait3A_34, %dma_wait3A_35] : memref<2x128xi32, #tpu.memory_space<vmem>> -> memref<1x128xi32, #tpu.memory_space<vmem>>
    %dma_wait3A_37 = tpu.memref_squeeze %dma_wait3A_36 : memref<1x128xi32, #tpu.memory_space<vmem>> -> memref<128xi32, #tpu.memory_space<vmem>>
    %dma_wait3A_38 = arith.constant 0 : i32
    %dma_wait3A_39 = arith.constant 0 : i32
    %dma_wait3A_40 = tpu.memref_slice %arg2[%dma_wait3A_38, %dma_wait3A_39] : memref<10240x128xf32, #tpu.memory_space<hbm>> -> memref<10240x128xf32, #tpu.memory_space<hbm>>
    tpu.wait_indirect_dma semaphore(%arg10 : memref<!tpu.dma_semaphore, #tpu.memory_space<semaphore_mem>>) src(%dma_wait3A_40 : memref<10240x128xf32, #tpu.memory_space<hbm>>) dst(%arg9 : memref<128x128xf32, #tpu.memory_space<vmem>>)
    %run_scoped3A = arith.constant 1 : i32
    "tpu.region"() ({
      %run_scoped3A_44 = tpu.sem_alloc : memref<!tpu.dma_semaphore, #tpu.memory_space<semaphore_mem>>
      %dma_start3A_45 = arith.constant 0 : i32
      %dma_start3A_46 = tpu.memref_slice %arg7[%run_scoped3A, %dma_start3A_45] : memref<2x128xi32, #tpu.memory_space<vmem>> -> memref<1x128xi32, #tpu.memory_space<vmem>>
      %dma_start3A_47 = tpu.memref_squeeze %dma_start3A_46 : memref<1x128xi32, #tpu.memory_space<vmem>> -> memref<128xi32, #tpu.memory_space<vmem>>
      %dma_start3A_48 = arith.constant 0 : i32
      %dma_start3A_49 = arith.constant 0 : i32
      %dma_start3A_50 = tpu.memref_slice %arg6[%dma_start3A_48, %dma_start3A_49] : memref<10240x128xf32, #tpu.memory_space<vmem_shared>> -> memref<10240x128xf32, #tpu.memory_space<vmem_shared>>
      tpu.enqueue_indirect_dma source(%arg9 : memref<128x128xf32, #tpu.memory_space<vmem>>) target(%dma_start3A_50 : memref<10240x128xf32, #tpu.memory_space<vmem_shared>>) offsets(%dma_start3A_47 : memref<128xi32, #tpu.memory_space<vmem>>) semaphore(%run_scoped3A_44 : memref<!tpu.dma_semaphore, #tpu.memory_space<semaphore_mem>>) {add = true}
      %dma_wait3A_51 = arith.constant 0 : i32
      %dma_wait3A_52 = tpu.memref_slice %arg7[%run_scoped3A, %dma_wait3A_51] : memref<2x128xi32, #tpu.memory_space<vmem>> -> memref<1x128xi32, #tpu.memory_space<vmem>>
      %dma_wait3A_53 = tpu.memref_squeeze %dma_wait3A_52 : memref<1x128xi32, #tpu.memory_space<vmem>> -> memref<128xi32, #tpu.memory_space<vmem>>
      %dma_wait3A_54 = arith.constant 0 : i32
      %dma_wait3A_55 = arith.constant 0 : i32
      %dma_wait3A_56 = tpu.memref_slice %arg6[%dma_wait3A_54, %dma_wait3A_55] : memref<10240x128xf32, #tpu.memory_space<vmem_shared>> -> memref<10240x128xf32, #tpu.memory_space<vmem_shared>>
      tpu.wait_indirect_dma semaphore(%run_scoped3A_44 : memref<!tpu.dma_semaphore, #tpu.memory_space<semaphore_mem>>) src(%arg9 : memref<128x128xf32, #tpu.memory_space<vmem>>) dst(%dma_wait3A_56 : memref<10240x128xf32, #tpu.memory_space<vmem_shared>>)
      tpu.yield
    }) : () -> ()
    %barrier3A_41 = arith.constant 0 : index
    tpu.barrier barrier_id(%barrier3A_41)
    %mul3A_42 = arith.constant 640 : i32
    %mul3A_43 = arith.muli %arg1, %mul3A_42 : i32
    "tpu.region"() ({
      %run_scoped3A_44 = tpu.sem_alloc : memref<!tpu.dma_semaphore, #tpu.memory_space<semaphore_mem>>
      %dma_start3A_45 = arith.constant 0 : i32
      %dma_start3A_46 = tpu.memref_slice %arg5[%arg0, %mul3A_43, %dma_start3A_45] : memref<2x10240x128xf32, #tpu.memory_space<hbm>> -> memref<1x640x128xf32, #tpu.memory_space<hbm>>
      %dma_start3A_47 = tpu.memref_squeeze %dma_start3A_46 : memref<1x640x128xf32, #tpu.memory_space<hbm>> -> memref<640x128xf32, #tpu.memory_space<hbm>>
      %dma_start3A_48 = arith.constant 0 : i32
      %dma_start3A_49 = tpu.memref_slice %arg6[%mul3A_43, %dma_start3A_48] : memref<10240x128xf32, #tpu.memory_space<vmem_shared>> -> memref<640x128xf32, #tpu.memory_space<vmem_shared>>
      tpu.enqueue_dma source(%dma_start3A_49 : memref<640x128xf32, #tpu.memory_space<vmem_shared>>) target(%dma_start3A_47 : memref<640x128xf32, #tpu.memory_space<hbm>>) target_semaphore(%run_scoped3A_44 : memref<!tpu.dma_semaphore, #tpu.memory_space<semaphore_mem>>)
      %dma_wait3A_50 = arith.constant 0 : i32
      %dma_wait3A_51 = tpu.memref_slice %arg5[%arg0, %mul3A_43, %dma_wait3A_50] : memref<2x10240x128xf32, #tpu.memory_space<hbm>> -> memref<1x640x128xf32, #tpu.memory_space<hbm>>
      %dma_wait3A_52 = tpu.memref_squeeze %dma_wait3A_51 : memref<1x640x128xf32, #tpu.memory_space<hbm>> -> memref<640x128xf32, #tpu.memory_space<hbm>>
      %dma_wait3A_53 = arith.constant 0 : i32
      %dma_wait3A_54 = tpu.memref_slice %arg6[%mul3A_43, %dma_wait3A_53] : memref<10240x128xf32, #tpu.memory_space<vmem_shared>> -> memref<640x128xf32, #tpu.memory_space<vmem_shared>>
      tpu.wait_dma2 semaphore(%run_scoped3A_44 : memref<!tpu.dma_semaphore, #tpu.memory_space<semaphore_mem>>) src(%dma_wait3A_54 : memref<640x128xf32, #tpu.memory_space<vmem_shared>>) dst(%dma_wait3A_52 : memref<640x128xf32, #tpu.memory_space<hbm>>)
      tpu.yield
    }) : () -> ()
    return
  }
}

module attributes {stable_mosaic.version = 14 : i64} {
  func.func @body(%arg0: i32, %arg1: memref<2000x1xi32, #tpu.memory_space<vmem>>, %arg2: memref<128x128xf32, #tpu.memory_space<vmem>>) attributes {dimension_semantics = [#tpu.dimension_semantics<arbitrary>], iteration_bounds = array<i64: 160>, scalar_prefetch = 0 : i64, scratch_operands = 0 : i64, tpu.core_type = #tpu.core_type<tc>, window_params = [{transform_indices = @transform_0, window_bounds = array<i64: 2000, 1>}, {pipeline_mode = #tpu.pipeline_mode<synchronous>, transform_indices = @transform_1, window_bounds = array<i64: 128, 128>}]} {
    %get3A = arith.constant 0 : index
    %get3A_0 = arith.constant 0 : index
    %get3A_1 = vector.load %arg1[%get3A, %get3A_0] : memref<2000x1xi32, #tpu.memory_space<vmem>>, vector<2000x1xi32>
    %iota3A = tpu.iota {dimensions = array<i32: 1>} : vector<1x128xi32>
    %shift_right_arithmetic3A = arith.constant 7 : i32
    %shift_right_arithmetic3A_2 = vector.broadcast %shift_right_arithmetic3A : i32 to vector<2000x1xi32>
    %shift_right_arithmetic3A_3 = arith.shrsi %get3A_1, %shift_right_arithmetic3A_2 : vector<2000x1xi32>
    %eq3A = vector.broadcast %shift_right_arithmetic3A_3 : vector<2000x1xi32> to vector<2000x128xi32>
    %eq3A_4 = vector.broadcast %iota3A : vector<1x128xi32> to vector<2000x128xi32>
    %eq3A_5 = arith.cmpi eq, %eq3A, %eq3A_4 : vector<2000x128xi32>
    %convert_element_type3A = arith.extui %eq3A_5 : vector<2000x128xi1> to vector<2000x128xi32>
    %convert_element_type3A_6 = arith.sitofp %convert_element_type3A : vector<2000x128xi32> to vector<2000x128xf32>
    %convert_element_type3A_7 = arith.truncf %convert_element_type3A_6 : vector<2000x128xf32> to vector<2000x128xbf16>
    %and3A = arith.constant 127 : i32
    %and3A_8 = vector.broadcast %and3A : i32 to vector<2000x1xi32>
    %and3A_9 = arith.andi %get3A_1, %and3A_8 : vector<2000x1xi32>
    %eq3A_10 = vector.broadcast %and3A_9 : vector<2000x1xi32> to vector<2000x128xi32>
    %eq3A_11 = vector.broadcast %iota3A : vector<1x128xi32> to vector<2000x128xi32>
    %eq3A_12 = arith.cmpi eq, %eq3A_10, %eq3A_11 : vector<2000x128xi32>
    %convert_element_type3A_13 = arith.extui %eq3A_12 : vector<2000x128xi1> to vector<2000x128xi32>
    %convert_element_type3A_14 = arith.sitofp %convert_element_type3A_13 : vector<2000x128xi32> to vector<2000x128xf32>
    %convert_element_type3A_15 = arith.truncf %convert_element_type3A_14 : vector<2000x128xf32> to vector<2000x128xbf16>
    %dot_general3A = arith.constant dense<0.000000e+00> : vector<128x128xf32>
    %dot_general3A_16 = tpu.matmul %convert_element_type3A_7, %convert_element_type3A_15, %dot_general3A {dimension_numbers = #tpu.dot_dimension_numbers<[0], [0], [1], [1], [0, 1, 1, 1], [], []>, transpose_lhs_hint = false} : vector<2000x128xbf16>, vector<2000x128xbf16>, vector<128x128xf32> -> vector<128x128xf32>
    %eq3A_17 = arith.constant 0 : i32
    %eq3A_18 = arith.cmpi eq, %arg0, %eq3A_17 : i32
    %convert_element_type3A_19 = arith.extui %eq3A_18 : i1 to i32
    %cond3A = arith.constant 0 : i32
    %cond3A_20 = arith.cmpi ne, %convert_element_type3A_19, %cond3A : i32
    scf.if %cond3A_20 {
      %swap3A = arith.constant 0 : index
      %swap3A_25 = arith.constant 0 : index
      %swap3A_26 = vector.load %arg2[%swap3A, %swap3A_25] : memref<128x128xf32, #tpu.memory_space<vmem>>, vector<128x128xf32>
      tpu.vector_store %arg2[%swap3A, %swap3A_25], %dot_general3A_16 {strides = array<i32>} : memref<128x128xf32, #tpu.memory_space<vmem>>, vector<128x128xf32>,
    } else {
    }
    %ne3A = arith.constant 0 : i32
    %ne3A_21 = arith.cmpi ne, %arg0, %ne3A : i32
    %convert_element_type3A_22 = arith.extui %ne3A_21 : i1 to i32
    %cond3A_23 = arith.constant 0 : i32
    %cond3A_24 = arith.cmpi ne, %convert_element_type3A_22, %cond3A_23 : i32
    scf.if %cond3A_24 {
      %get3A_25 = arith.constant 0 : index
      %get3A_26 = arith.constant 0 : index
      %get3A_27 = vector.load %arg2[%get3A_25, %get3A_26] : memref<128x128xf32, #tpu.memory_space<vmem>>, vector<128x128xf32>
      %add3A = arith.addf %get3A_27, %dot_general3A_16 : vector<128x128xf32>
      %swap3A = arith.constant 0 : index
      %swap3A_28 = arith.constant 0 : index
      %swap3A_29 = vector.load %arg2[%swap3A, %swap3A_28] : memref<128x128xf32, #tpu.memory_space<vmem>>, vector<128x128xf32>
      tpu.vector_store %arg2[%swap3A, %swap3A_28], %add3A {strides = array<i32>} : memref<128x128xf32, #tpu.memory_space<vmem>>, vector<128x128xf32>,
    } else {
    }
    return
  }
  func.func @transform_0(%arg0: i32) -> (i32, i32) {
    %c0_i32 = arith.constant 0 : i32
    %c0_i32_0 = arith.constant 0 : i32
    return %arg0, %c0_i32 : i32, i32
  }
  func.func @transform_1(%arg0: i32) -> (i32, i32) {
    %c0_i32 = arith.constant 0 : i32
    %c0_i32_0 = arith.constant 0 : i32
    %c0_i32_1 = arith.constant 0 : i32
    return %c0_i32, %c0_i32_0 : i32, i32
  }
}

module attributes {stable_mosaic.version = 14 : i64} {
  func.func @body(%arg0: i32, %arg1: memref<2x2048x128xf32, #tpu.memory_space<vmem>>, %arg2: memref<2048x1xf32, #tpu.memory_space<vmem>>, %arg3: memref<2048x128xf32, #tpu.memory_space<vmem>>, %arg4: memref<128x128xf32, #tpu.memory_space<vmem>>, %arg5: memref<128x128xf32, #tpu.memory_space<vmem>>, %arg6: memref<1x128xf32, #tpu.memory_space<vmem>>, %arg7: memref<2048x128xf32, #tpu.memory_space<vmem>>) attributes {dimension_semantics = [#tpu.dimension_semantics<arbitrary>], iteration_bounds = array<i64: 5>, scalar_prefetch = 0 : i64, scratch_operands = 0 : i64, tpu.core_type = #tpu.core_type<tc>, window_params = [{transform_indices = @transform_0, window_bounds = array<i64: 2, 2048, 128>}, {transform_indices = @transform_1, window_bounds = array<i64: 2048, 1>}, {transform_indices = @transform_2, window_bounds = array<i64: 2048, 128>}, {pipeline_mode = #tpu.pipeline_mode<synchronous>, transform_indices = @transform_3, window_bounds = array<i64: 128, 128>}, {pipeline_mode = #tpu.pipeline_mode<synchronous>, transform_indices = @transform_4, window_bounds = array<i64: 128, 128>}, {pipeline_mode = #tpu.pipeline_mode<synchronous>, transform_indices = @transform_5, window_bounds = array<i64: 1, 128>}, {transform_indices = @transform_6, window_bounds = array<i64: 2048, 128>}]} {
    %get3A = arith.constant 0 : index
    %get3A_0 = arith.constant 0 : index
    %get3A_1 = arith.constant 0 : index
    %get3A_2 = vector.load %arg1[%get3A, %get3A_0, %get3A_1] : memref<2x2048x128xf32, #tpu.memory_space<vmem>>, vector<1x2048x128xf32>
    %get3A_3 = vector.shape_cast %get3A_2 : vector<1x2048x128xf32> to vector<2048x128xf32>
    %get3A_4 = arith.constant 1 : index
    %get3A_5 = arith.constant 0 : index
    %get3A_6 = arith.constant 0 : index
    %get3A_7 = vector.load %arg1[%get3A_4, %get3A_5, %get3A_6] : memref<2x2048x128xf32, #tpu.memory_space<vmem>>, vector<1x2048x128xf32>
    %get3A_8 = vector.shape_cast %get3A_7 : vector<1x2048x128xf32> to vector<2048x128xf32>
    %add3A = arith.addf %get3A_3, %get3A_8 : vector<2048x128xf32>
    %get3A_9 = arith.constant 0 : index
    %get3A_10 = arith.constant 0 : index
    %get3A_11 = vector.load %arg2[%get3A_9, %get3A_10] : memref<2048x1xf32, #tpu.memory_space<vmem>>, vector<2048x1xf32>
    %max3A = arith.constant 1.000000e+00 : f32
    %max3A_12 = vector.broadcast %max3A : f32 to vector<2048x1xf32>
    %max3A_13 = arith.maximumf %get3A_11, %max3A_12 : vector<2048x1xf32>
    %div3A = vector.broadcast %max3A_13 : vector<2048x1xf32> to vector<2048x128xf32>
    %div3A_14 = arith.divf %add3A, %div3A : vector<2048x128xf32>
    %get3A_15 = arith.constant 0 : index
    %get3A_16 = arith.constant 0 : index
    %get3A_17 = vector.load %arg4[%get3A_15, %get3A_16] : memref<128x128xf32, #tpu.memory_space<vmem>>, vector<128x128xf32>
    %dot_general3A = arith.constant dense<0.000000e+00> : vector<2048x128xf32>
    %dot_general3A_18 = tpu.matmul %div3A_14, %get3A_17, %dot_general3A {dimension_numbers = #tpu.dot_dimension_numbers<[1], [1], [0], [0], [0, 0, 1, 0], [], []>, transpose_lhs_hint = false} : vector<2048x128xf32>, vector<128x128xf32>, vector<2048x128xf32> -> vector<2048x128xf32>
    %get3A_19 = arith.constant 0 : index
    %get3A_20 = arith.constant 0 : index
    %get3A_21 = vector.load %arg3[%get3A_19, %get3A_20] : memref<2048x128xf32, #tpu.memory_space<vmem>>, vector<2048x128xf32>
    %get3A_22 = arith.constant 0 : index
    %get3A_23 = arith.constant 0 : index
    %get3A_24 = vector.load %arg5[%get3A_22, %get3A_23] : memref<128x128xf32, #tpu.memory_space<vmem>>, vector<128x128xf32>
    %dot_general3A_25 = arith.constant dense<0.000000e+00> : vector<2048x128xf32>
    %dot_general3A_26 = tpu.matmul %get3A_21, %get3A_24, %dot_general3A_25 {dimension_numbers = #tpu.dot_dimension_numbers<[1], [1], [0], [0], [0, 0, 1, 0], [], []>, transpose_lhs_hint = false} : vector<2048x128xf32>, vector<128x128xf32>, vector<2048x128xf32> -> vector<2048x128xf32>
    %add3A_27 = arith.addf %dot_general3A_18, %dot_general3A_26 : vector<2048x128xf32>
    %get3A_28 = arith.constant 0 : index
    %get3A_29 = arith.constant 0 : index
    %get3A_30 = vector.load %arg6[%get3A_28, %get3A_29] : memref<1x128xf32, #tpu.memory_space<vmem>>, vector<1x128xf32>
    %add3A_31 = vector.broadcast %get3A_30 : vector<1x128xf32> to vector<2048x128xf32>
    %add3A_32 = arith.addf %add3A_27, %add3A_31 : vector<2048x128xf32>
    %max3A_33 = arith.constant 0.000000e+00 : f32
    %max3A_34 = vector.broadcast %max3A_33 : f32 to vector<2048x128xf32>
    %max3A_35 = arith.maximumf %add3A_32, %max3A_34 : vector<2048x128xf32>
    %swap3A = arith.constant 0 : index
    %swap3A_36 = arith.constant 0 : index
    %swap3A_37 = vector.load %arg7[%swap3A, %swap3A_36] : memref<2048x128xf32, #tpu.memory_space<vmem>>, vector<2048x128xf32>
    tpu.vector_store %arg7[%swap3A, %swap3A_36], %max3A_35 {strides = array<i32>} : memref<2048x128xf32, #tpu.memory_space<vmem>>, vector<2048x128xf32>,
    return
  }
  func.func @transform_0(%arg0: i32) -> (i32, i32, i32) {
    %c0_i32 = arith.constant 0 : i32
    %c0_i32_0 = arith.constant 0 : i32
    %c0_i32_1 = arith.constant 0 : i32
    return %c0_i32, %arg0, %c0_i32_0 : i32, i32, i32
  }
  func.func @transform_1(%arg0: i32) -> (i32, i32) {
    %c0_i32 = arith.constant 0 : i32
    %c0_i32_0 = arith.constant 0 : i32
    return %arg0, %c0_i32 : i32, i32
  }
  func.func @transform_2(%arg0: i32) -> (i32, i32) {
    %c0_i32 = arith.constant 0 : i32
    %c0_i32_0 = arith.constant 0 : i32
    return %arg0, %c0_i32 : i32, i32
  }
  func.func @transform_3(%arg0: i32) -> (i32, i32) {
    %c0_i32 = arith.constant 0 : i32
    %c0_i32_0 = arith.constant 0 : i32
    %c0_i32_1 = arith.constant 0 : i32
    return %c0_i32, %c0_i32_0 : i32, i32
  }
  func.func @transform_4(%arg0: i32) -> (i32, i32) {
    %c0_i32 = arith.constant 0 : i32
    %c0_i32_0 = arith.constant 0 : i32
    %c0_i32_1 = arith.constant 0 : i32
    return %c0_i32, %c0_i32_0 : i32, i32
  }
  func.func @transform_5(%arg0: i32) -> (i32, i32) {
    %c0_i32 = arith.constant 0 : i32
    %c0_i32_0 = arith.constant 0 : i32
    %c0_i32_1 = arith.constant 0 : i32
    return %c0_i32, %c0_i32_0 : i32, i32
  }
  func.func @transform_6(%arg0: i32) -> (i32, i32) {
    %c0_i32 = arith.constant 0 : i32
    %c0_i32_0 = arith.constant 0 : i32
    return %arg0, %c0_i32 : i32, i32
  }
}

module attributes {stable_mosaic.version = 14 : i64} {
  func.func @body(%arg0: i32, %arg1: memref<2x2048x128xf32, #tpu.memory_space<vmem>>, %arg2: memref<2048x1xf32, #tpu.memory_space<vmem>>, %arg3: memref<2048x128xf32, #tpu.memory_space<vmem>>, %arg4: memref<128x128xf32, #tpu.memory_space<vmem>>, %arg5: memref<128x128xf32, #tpu.memory_space<vmem>>, %arg6: memref<1x128xf32, #tpu.memory_space<vmem>>, %arg7: memref<2048x128xf32, #tpu.memory_space<vmem>>) attributes {dimension_semantics = [#tpu.dimension_semantics<arbitrary>], iteration_bounds = array<i64: 5>, scalar_prefetch = 0 : i64, scratch_operands = 0 : i64, tpu.core_type = #tpu.core_type<tc>, window_params = [{transform_indices = @transform_0, window_bounds = array<i64: 2, 2048, 128>}, {transform_indices = @transform_1, window_bounds = array<i64: 2048, 1>}, {transform_indices = @transform_2, window_bounds = array<i64: 2048, 128>}, {pipeline_mode = #tpu.pipeline_mode<synchronous>, transform_indices = @transform_3, window_bounds = array<i64: 128, 128>}, {pipeline_mode = #tpu.pipeline_mode<synchronous>, transform_indices = @transform_4, window_bounds = array<i64: 128, 128>}, {pipeline_mode = #tpu.pipeline_mode<synchronous>, transform_indices = @transform_5, window_bounds = array<i64: 1, 128>}, {transform_indices = @transform_6, window_bounds = array<i64: 2048, 128>}]} {
    %get3A = arith.constant 0 : index
    %get3A_0 = arith.constant 0 : index
    %get3A_1 = arith.constant 0 : index
    %get3A_2 = vector.load %arg1[%get3A, %get3A_0, %get3A_1] : memref<2x2048x128xf32, #tpu.memory_space<vmem>>, vector<1x2048x128xf32>
    %get3A_3 = vector.shape_cast %get3A_2 : vector<1x2048x128xf32> to vector<2048x128xf32>
    %get3A_4 = arith.constant 1 : index
    %get3A_5 = arith.constant 0 : index
    %get3A_6 = arith.constant 0 : index
    %get3A_7 = vector.load %arg1[%get3A_4, %get3A_5, %get3A_6] : memref<2x2048x128xf32, #tpu.memory_space<vmem>>, vector<1x2048x128xf32>
    %get3A_8 = vector.shape_cast %get3A_7 : vector<1x2048x128xf32> to vector<2048x128xf32>
    %add3A = arith.addf %get3A_3, %get3A_8 : vector<2048x128xf32>
    %get3A_9 = arith.constant 0 : index
    %get3A_10 = arith.constant 0 : index
    %get3A_11 = vector.load %arg2[%get3A_9, %get3A_10] : memref<2048x1xf32, #tpu.memory_space<vmem>>, vector<2048x1xf32>
    %max3A = arith.constant 1.000000e+00 : f32
    %max3A_12 = vector.broadcast %max3A : f32 to vector<2048x1xf32>
    %max3A_13 = arith.maximumf %get3A_11, %max3A_12 : vector<2048x1xf32>
    %div3A = vector.broadcast %max3A_13 : vector<2048x1xf32> to vector<2048x128xf32>
    %div3A_14 = arith.divf %add3A, %div3A : vector<2048x128xf32>
    %get3A_15 = arith.constant 0 : index
    %get3A_16 = arith.constant 0 : index
    %get3A_17 = vector.load %arg4[%get3A_15, %get3A_16] : memref<128x128xf32, #tpu.memory_space<vmem>>, vector<128x128xf32>
    %dot_general3A = arith.constant dense<0.000000e+00> : vector<2048x128xf32>
    %dot_general3A_18 = tpu.matmul %div3A_14, %get3A_17, %dot_general3A {dimension_numbers = #tpu.dot_dimension_numbers<[1], [1], [0], [0], [0, 0, 1, 0], [], []>, transpose_lhs_hint = false} : vector<2048x128xf32>, vector<128x128xf32>, vector<2048x128xf32> -> vector<2048x128xf32>
    %get3A_19 = arith.constant 0 : index
    %get3A_20 = arith.constant 0 : index
    %get3A_21 = vector.load %arg3[%get3A_19, %get3A_20] : memref<2048x128xf32, #tpu.memory_space<vmem>>, vector<2048x128xf32>
    %get3A_22 = arith.constant 0 : index
    %get3A_23 = arith.constant 0 : index
    %get3A_24 = vector.load %arg5[%get3A_22, %get3A_23] : memref<128x128xf32, #tpu.memory_space<vmem>>, vector<128x128xf32>
    %dot_general3A_25 = arith.constant dense<0.000000e+00> : vector<2048x128xf32>
    %dot_general3A_26 = tpu.matmul %get3A_21, %get3A_24, %dot_general3A_25 {dimension_numbers = #tpu.dot_dimension_numbers<[1], [1], [0], [0], [0, 0, 1, 0], [], []>, transpose_lhs_hint = false} : vector<2048x128xf32>, vector<128x128xf32>, vector<2048x128xf32> -> vector<2048x128xf32>
    %add3A_27 = arith.addf %dot_general3A_18, %dot_general3A_26 : vector<2048x128xf32>
    %get3A_28 = arith.constant 0 : index
    %get3A_29 = arith.constant 0 : index
    %get3A_30 = vector.load %arg6[%get3A_28, %get3A_29] : memref<1x128xf32, #tpu.memory_space<vmem>>, vector<1x128xf32>
    %add3A_31 = vector.broadcast %get3A_30 : vector<1x128xf32> to vector<2048x128xf32>
    %add3A_32 = arith.addf %add3A_27, %add3A_31 : vector<2048x128xf32>
    %swap3A = arith.constant 0 : index
    %swap3A_33 = arith.constant 0 : index
    %swap3A_34 = vector.load %arg7[%swap3A, %swap3A_33] : memref<2048x128xf32, #tpu.memory_space<vmem>>, vector<2048x128xf32>
    tpu.vector_store %arg7[%swap3A, %swap3A_33], %add3A_32 {strides = array<i32>} : memref<2048x128xf32, #tpu.memory_space<vmem>>, vector<2048x128xf32>,
    return
  }
  func.func @transform_0(%arg0: i32) -> (i32, i32, i32) {
    %c0_i32 = arith.constant 0 : i32
    %c0_i32_0 = arith.constant 0 : i32
    %c0_i32_1 = arith.constant 0 : i32
    return %c0_i32, %arg0, %c0_i32_0 : i32, i32, i32
  }
  func.func @transform_1(%arg0: i32) -> (i32, i32) {
    %c0_i32 = arith.constant 0 : i32
    %c0_i32_0 = arith.constant 0 : i32
    return %arg0, %c0_i32 : i32, i32
  }
  func.func @transform_2(%arg0: i32) -> (i32, i32) {
    %c0_i32 = arith.constant 0 : i32
    %c0_i32_0 = arith.constant 0 : i32
    return %arg0, %c0_i32 : i32, i32
  }
  func.func @transform_3(%arg0: i32) -> (i32, i32) {
    %c0_i32 = arith.constant 0 : i32
    %c0_i32_0 = arith.constant 0 : i32
    %c0_i32_1 = arith.constant 0 : i32
    return %c0_i32, %c0_i32_0 : i32, i32
  }
  func.func @transform_4(%arg0: i32) -> (i32, i32) {
    %c0_i32 = arith.constant 0 : i32
    %c0_i32_0 = arith.constant 0 : i32
    %c0_i32_1 = arith.constant 0 : i32
    return %c0_i32, %c0_i32_0 : i32, i32
  }
  func.func @transform_5(%arg0: i32) -> (i32, i32) {
    %c0_i32 = arith.constant 0 : i32
    %c0_i32_0 = arith.constant 0 : i32
    %c0_i32_1 = arith.constant 0 : i32
    return %c0_i32, %c0_i32_0 : i32, i32
  }
  func.func @transform_6(%arg0: i32) -> (i32, i32) {
    %c0_i32 = arith.constant 0 : i32
    %c0_i32_0 = arith.constant 0 : i32
    return %arg0, %c0_i32 : i32, i32
  }
}

module attributes {stable_mosaic.version = 14 : i64} {
  func.func @body(%arg0: i32, %arg1: i32, %arg2: memref<1024x128xf32, #tpu.memory_space<vmem>>, %arg3: memref<1024x128xf32, #tpu.memory_space<vmem>>, %arg4: memref<1024x1024xf32, #tpu.memory_space<vmem>>) attributes {dimension_semantics = [#tpu.dimension_semantics<arbitrary>, #tpu.dimension_semantics<arbitrary>], iteration_bounds = array<i64: 5, 5>, scalar_prefetch = 0 : i64, scratch_operands = 0 : i64, tpu.core_type = #tpu.core_type<tc>, window_params = [{transform_indices = @transform_0, window_bounds = array<i64: 1024, 128>}, {transform_indices = @transform_1, window_bounds = array<i64: 1024, 128>}, {transform_indices = @transform_2, window_bounds = array<i64: 1024, 1024>}]} {
    %get3A = arith.constant 0 : index
    %get3A_0 = arith.constant 0 : index
    %get3A_1 = vector.load %arg2[%get3A, %get3A_0] : memref<1024x128xf32, #tpu.memory_space<vmem>>, vector<1024x128xf32>
    %get3A_2 = arith.constant 0 : index
    %get3A_3 = arith.constant 0 : index
    %get3A_4 = vector.load %arg3[%get3A_2, %get3A_3] : memref<1024x128xf32, #tpu.memory_space<vmem>>, vector<1024x128xf32>
    %dot_general3A = arith.constant dense<0.000000e+00> : vector<1024x1024xf32>
    %dot_general3A_5 = tpu.matmul %get3A_1, %get3A_4, %dot_general3A {dimension_numbers = #tpu.dot_dimension_numbers<[1], [1], [0], [0], [0, 0, 1, 0], [], []>, transpose_lhs_hint = false} : vector<1024x128xf32>, vector<1024x128xf32>, vector<1024x1024xf32> -> vector<1024x1024xf32>
    %swap3A = arith.constant 0 : index
    %swap3A_6 = arith.constant 0 : index
    %swap3A_7 = vector.load %arg4[%swap3A, %swap3A_6] : memref<1024x1024xf32, #tpu.memory_space<vmem>>, vector<1024x1024xf32>
    tpu.vector_store %arg4[%swap3A, %swap3A_6], %dot_general3A_5 {strides = array<i32>} : memref<1024x1024xf32, #tpu.memory_space<vmem>>, vector<1024x1024xf32>,
    return
  }
  func.func @transform_0(%arg0: i32, %arg1: i32) -> (i32, i32) {
    %c0_i32 = arith.constant 0 : i32
    %c0_i32_0 = arith.constant 0 : i32
    return %arg0, %c0_i32 : i32, i32
  }
  func.func @transform_1(%arg0: i32, %arg1: i32) -> (i32, i32) {
    %c0_i32 = arith.constant 0 : i32
    %c0_i32_0 = arith.constant 0 : i32
    return %arg1, %c0_i32 : i32, i32
  }
  func.func @transform_2(%arg0: i32, %arg1: i32) -> (i32, i32) {
    %c0_i32 = arith.constant 0 : i32
    return %arg0, %arg1 : i32, i32
  }
}

</mosaic_0001>

<sc_bundles>
// kernel: sc_segsum.4.cloned.1.call-start
scs
__scs_entry_jumppad:
0x0: {  	(pc) =	sbr.rel $0x88, $3  }
0x1: {  	(tag) =	ssettag $0x0;
	lr =	simm.s32 $0x1  }
0x2: {  	[smem:$0x3F99] =	sst lr;
	_ =	strace $0xD0000000  }
0x3: {  	_ = 	snop  }
0x4: {  	_ = 	snop  }
0x5: {  	_ = 	snop  }
0x6: {  	_ = 	snop  }
0x7: {  	_ = 	snop  }
__scs_overlays_trampoline_lowered:
0x8: {  	[smem:$0x3FA8] =	sst s0  }
0x9: {  	[smem:$0x3FA9] =	sst s1  }
0xa: {  	[smem:$0x3FAA] =	sst s2  }
0xb: {  	[smem:$0x3FAB] =	sst s3  }
0xc: {  	[smem:$0x3FAC] =	sst s4  }
0xd: {  	[smem:$0x3FAD] =	sst s5  }
0xe: {  	[smem:$0x3FAE] =	sst s6  }
0xf: {  	[smem:$0x3FAF] =	sst s7  }
0x10: {  	[smem:$0x3FB0] =	sst s8  }
0x11: {  	[smem:$0x3FB1] =	sst s9;
	s0 =	simm.s32 @!p0 $0x0  }
0x12: {  	s1 =	sld [smem:$0x3F97];
	s0 =	simm.s32 @p0 $0x1  }
0x13: {  	[smem:$0x3FB2] =	sst s0;
	s0 =	simm.s32 @!p1 $0x0  }
0x14: {  	s2 =	sld [smem:$0x3F96];
	s0 =	simm.s32 @p1 $0x1  }
0x15: {  	[smem:$0x3FB3] =	sst s0;
	s0 =	simm.s32 @!p2 $0x0  }
0x16: {  	s3 =	sld [smem:$0x3FDB];
	s0 =	simm.s32 @p2 $0x1  }
0x17: {  	s4 =	simm.s32 $0x1BF5;
	[smem:$0x3FB5] =	sst s0  }
0x18: {  	s0 =	sld [smem:$0x3F98];
	_ =	swait.ge [sflag:s4], $0x0  }
0x19: {  	s7 =	sld [smem:$0x3F99]  }
0x1a: {  	s8 =	sadd.s32 $0xFFFFE003, lr  }
0x1b: {  	s9 =	sadd.s32 $0xFFFFFEF7, lr;
	s5 =	simm.s32 $0xFFFFFFFF;
	p2 =	slt.u32 s8, $0xFFFFF086  }
0x1c: {  	p1 =	slt.u32 s9, $0xF7A;
	s5 =	simm.s32 @!p2 $0x0  }
0x1d: {  	s5 =	simm.s32 @p1 $0x1;
	p0 =	seq.s32 s7, s2  }
0x1e: {  	s7 =	smul.u32 @!p0 $0xF7A, s2;
	p2 =	seq.s32 @!p0 s5, $0x0  }
0x1f: {  	s9 =	smul.u32 $0xF7A, s1;
	s8 =	simm.s32 @!p0 $0x1BF5;
	p2 =	por !p2, p0  }
0x20: {  	[sflag:s8] =	ssyncset.s32 @!p0 $0xFFFFF086;
	s6 =	sadd.s32 @!p0 s3, s7;
	s7 =	simm.s32 @!p0 $0x108  }
0x21: {  	s3 =	sadd.s32 s3, s9;
	s6 =	sadd.s32 @!p0 $0x88, s6;
	s7 =	simm.s32 @p2 $0x1082  }
0x22: {  	[simem:s7], [sflag:s8] =	dma.local @!p0 [hbm:s6], $0xF7A  }
0x23: {  	s9 =	sor.u32 $0xD0000000, s2;
	s6 =	simm.s32 $0x108;
	_ =	swait.ge @!p0 [sflag:s8], $0x0  }
0x24: {  	s3 =	sadd.s32 $0x88, s3;
	s6 =	simm.s32 @!p1 $0x1082;
	[sflag:s4] =	ssyncset.s32 $0xFFFFF086  }
0x25: {  	[simem:s6], [sflag:s4] =	dma.local [hbm:s3], $0xF7A  }
0x26: {  	[smem:$0x3F99] =	sst s1;
	(tag) =	ssettag s2;
	_ =	strace s9  }
0x27: {  	s1 =	sld [smem:$0x3FA9]  }
0x28: {  	s2 =	sld [smem:$0x3FAA]  }
0x29: {  	s4 =	sld [smem:$0x3FAC]  }
0x2a: {  	p0 =	seq.s32 s5, $0x0;
	s5 =	sld [smem:$0x3FAD]  }
0x2b: {  	s6 =	sld [smem:$0x3FAE]  }
0x2c: {  	s7 =	sld [smem:$0x3FAF]  }
0x2d: {  	s3 =	simm.s32 $0x108;
	s8 =	sld [smem:$0x3FB0]  }
0x2e: {  	s3 =	simm.s32 @!p0 $0x1082;
	s9 =	sld [smem:$0x3FB1]  }
0x2f: {  	lr =	sadd.s32 s0, s3;
	s0 =	sld [smem:$0x3FA8]  }
0x30: {  	s3 =	sld [smem:$0x3FAB]  }
0x31: {  	[smem:$0x3FB4] =	sst s10  }
0x32: {  	s10 =	sld [smem:$0x3FB2];
	_ =	sdelay $0x3  }
0x33: {  	p0 =	seq.s32 s10, $0x1;
	s10 =	sld [smem:$0x3FB4];
	_ =	sdelay $0x3  }
0x34: {  	[smem:$0x3FB4] =	sst s10  }
0x35: {  	s10 =	sld [smem:$0x3FB3];
	_ =	sdelay $0x3  }
0x36: {  	p1 =	seq.s32 s10, $0x1;
	s10 =	sld [smem:$0x3FB4];
	_ =	sdelay $0x3  }
0x37: {  	[smem:$0x3FB4] =	sst s10  }
0x38: {  	s10 =	sld [smem:$0x3FB5]  }
0x39: {  	_ = 	snop;
	(pc) =	sbr.ind lr, $3  }
0x3a: {  	_ = 	snop  }
0x3b: {  	_ = 	snop  }
0x3c: {  	p2 =	seq.s32 s10, $0x1;
	s10 =	sld [smem:$0x3FB4]  }
0x3d: {  	_ =	shalt  }
0x3e: {  	_ =	shalt  }
0x3f: {  	_ =	shalt  }
0x40: {  	_ =	shalt  }
0x41: {  	_ =	shalt  }
0x42: {  	_ =	shalt  }
0x43: {  	_ =	shalt  }
0x44: {  	_ =	shalt  }
0x45: {  	_ =	shalt  }
0x46: {  	_ =	shalt  }
0x47: {  	_ =	shalt  }
0x48: {  	_ =	shalt  }
0x49: {  	_ =	shalt  }
0x4a: {  	_ =	shalt  }
0x4b: {  	_ =	shalt  }
0x4c: {  	_ =	shalt  }
0x4d: {  	_ =	shalt  }
0x4e: {  	_ =	shalt  }
0x4f: {  	_ =	shalt  }
0x50: {  	_ =	shalt  }
0x51: {  	_ =	shalt  }
0x52: {  	_ =	shalt  }
0x53: {  	_ =	shalt  }
0x54: {  	_ =	shalt  }
0x55: {  	_ =	shalt  }
0x56: {  	_ =	shalt  }
0x57: {  	_ =	shalt  }
0x58: {  	_ =	shalt  }
0x59: {  	_ =	shalt  }
0x5a: {  	_ =	shalt  }
0x5b: {  	_ =	shalt  }
0x5c: {  	_ =	shalt  }
0x5d: {  	_ =	shalt  }
0x5e: {  	_ =	shalt  }
0x5f: {  	_ =	shalt  }
0x60: {  	_ =	shalt  }
0x61: {  	_ =	shalt  }
0x62: {  	_ =	shalt  }
0x63: {  	_ =	shalt  }
0x64: {  	_ =	shalt  }
0x65: {  	_ =	shalt  }
0x66: {  	_ =	shalt  }
0x67: {  	_ =	shalt  }
0x68: {  	_ =	shalt  }
0x69: {  	_ =	shalt  }
0x6a: {  	_ =	shalt  }
0x6b: {  	_ =	shalt  }
0x6c: {  	_ =	shalt  }
0x6d: {  	_ =	shalt  }
0x6e: {  	_ =	shalt  }
0x6f: {  	_ =	shalt  }
0x70: {  	_ =	shalt  }
0x71: {  	_ =	shalt  }
0x72: {  	_ =	shalt  }
0x73: {  	_ =	shalt  }
0x74: {  	_ =	shalt  }
0x75: {  	_ =	shalt  }
0x76: {  	_ =	shalt  }
0x77: {  	_ =	shalt  }
0x78: {  	_ =	shalt  }
0x79: {  	_ =	shalt  }
0x7a: {  	_ =	shalt  }
0x7b: {  	_ =	shalt  }
0x7c: {  	_ =	shalt  }
0x7d: {  	_ =	shalt  }
0x7e: {  	_ =	shalt  }
0x7f: {  	_ =	shalt  }
0x80: {  	_ =	shalt  }
0x81: {  	_ =	shalt  }
0x82: {  	_ =	shalt  }
0x83: {  	_ =	shalt  }
0x84: {  	_ =	shalt  }
0x85: {  	_ =	shalt  }
0x86: {  	_ =	shalt  }
0x87: {  	_ =	shalt  }
.Lfunc_end0:
.L_simem_size_0:
called_computation_lowered:
.L_overlay_start_0:
0x88: {  	s2 =	sld [smem:$0x3FD9]  }
0x89: {  	s3 =	sld [smem:$0x3FFE];
	_ =	sdelay $0x1  }
0x8a: {  	s1 =	srdreg.scid  }
0x8b: {  	s0 =	sand.u32 $0x1, s1  }
0x8c: {  	s17 =	sshll.u32 s0, $0xA;
	s2 =	sadd.s32 s3, s2  }
0x8d: {  	s2 =	sadd.s32 s2, s17  }
0x8e: {  	[smem:$0x3FC0] =	sst s2  }
0x8f: {  	_ = 	snop  }
0x90: {  	s2 =	sld [smem:$0x3FD0];
	(tm) =	ssettm $0x1  }
0x91: {  	s18 =	sld [smem:$0x3FFB];
	_ =	sdelay $0x3  }
0x92: {  	_ =	strace s18  }
0x93: {  	s3 =	sld [smem:$0x3FFC];
	_ =	sdelay $0x3  }
0x94: {  	_ =	strace s3  }
0x95: {  	s3 =	sld [smem:$0x3FFD];
	_ =	sdelay $0x3  }
0x96: {  	_ =	strace s3  }
0x97: {  	_ =	strace $0x8FFFFFFF  }
0x98: {  	s19 =	sld [smem:$0x3FDB];
	_ =	sdelay $0x1  }
0x99: {  	s4 =	simm.s32 $_scs_section_size  }
0x9a: {  	s5 =	simm.s32 $_size__tile_overlayer_lowered;
	s6 =	simm.s32 $_tile_overlayer_lowered  }
0x9b: {  	s22 =	simm.s32 $0x1BFF;
	s21 =	sshll.u32 s6, $0x1;
	s3 =	sadd.s32 s4, s19  }
0x9c: {  	s7 =	simm.s32 $0x0;
	s20 =	sshll.u32 s5, $0x1;
	s5 =	sadd.s32 s21, s3  }
0x9d: {  	[timem:s7], [sflag:s22] =	dma.local [hbm:s5], s20  }
0x9e: {  	_ =	swait.ge [sflag:s22], s20  }
0x9f: {  	s4 =	ssub.s32 $0x0, s20;
	[sflag:s22] =	ssyncset.done $0x0  }
0xa0: {  	[sflag:s22] =	ssyncadd.s32 s4;
	_ =	sdelay $0x1  }
0xa1: {  	s23 =	simm.s32 $0x1B8B  }
0xa2: {  	_ =	swait.ge [sflag:s23], $0x1  }
0xa3: {  	[sflag:s23] =	ssyncset.done $0x0  }
0xa4: {  	s25 =	simm.s32 $0x1B8E;
	s24 =	sld [smem:$0x3FFE];
	[sflag:s23] =	ssyncadd.s32 $0xFFFFFFFF  }
0xa5: {  	s26 =	simm.s32 $execute0_lowered;
	[smem:$0x3FD2] =	sst s25  }
0xa6: {  	s5 =	sshll.u32 s26, $0x1;
	_ =	strace $0x80000046;
	[dreg:$0x1] =	wrdreg $0xFFFFFFFF  }
0xa7: {  	s28 =	simm.s32 $_size_execute0_lowered;
	s3 =	sadd.s32 s3, s5;
	[dreg:$0x0] =	wrdreg $0x0  }
0xa8: {  	s5 =	sshll.u32 s28, $0x1;
	[dreg:$0x2] =	wrdreg s3  }
0xa9: {  	[dreg:$0x3] =	wrdreg s5  }
0xaa: {  	[dreg:$0x4] =	wrdreg $0xC0  }
0xab: {  	_ =	task [dreg:s7], $0x5FFFF  }
0xac: {  	[dreg:$0x1] =	wrdreg $0xFFFFFFFF  }
0xad: {  	[dreg:$0x0] =	wrdreg $0x60  }
0xae: {  	[dreg:$0x2] =	wrdreg s24  }
0xaf: {  	[dreg:$0x3] =	wrdreg s2  }
0xb0: {  	[dreg:$0x4] =	wrdreg $0x0  }
0xb1: {  	[dreg:$0x5] =	wrdreg $0x9  }
0xb2: {  	_ =	task.clear_ibuf [dreg:s7], $0x6FFFF;
	_ =	strace $0x90000046  }
0xb3: {  	s29 =	simm.s32 $0x9;
	_ =	strace $0x80000048  }
0xb4: {  	_ =	swait.ge [sflag:s29], $0x1  }
0xb5: {  	[sflag:s29] =	ssyncadd.s32 $0xFFFFFFFF  }
0xb6: {  	_ =	strace $0x90000048  }
0xb7: {  	_ =	sfence  }
0xb8: {  	s30 =	sld [smem:$0x0];
	_ =	sdelay $0x2  }
0xb9: {  	s31 =	sshll.u32 s1, $0xD;
	s1 =	sshrl.u32 s1, $0x2  }
0xba: {  	s3 =	sand.u32 $0x4000, s31;
	s1 =	sadd.s32 s1, s30  }
0xbb: {  	s0 =	sor.u32 s3, s0;
	s1 =	sshll.u32 s1, $0x11  }
0xbc: {  	s0 =	sor.u32 s1, s0  }
0xbd: {  	s0 =	sadd.s32 $0x8F2B, s0  }
0xbe: {  	[sflag:s0] =	ssyncadd.remote.s32 $0x1  }
0xbf: {  	_ =	sfence.sel $0xFFFF  }
0xc0: {  	[dreg:$0x0] =	wrdreg $0xFFFFFFFF;
	(pc) =	sbr.abs _section_cstart, $3  }
0xc1: {  	[dreg:$0x1] =	wrdreg $0xFFFFFFFF  }
0xc2: {  	_ =	task.clear_ibuf [dreg:s7], $0x2FFFF;
	_ =	strace $0x9FFFFFFF  }
0xc3: {  	(tm) =	ssettm $0x7FFFFFFF  }
tec
execute0_lowered:
.L_overlay_start_1:
0x0: {  	(tag) =	ssettag $0x1  }
0x1: {  	s5 =	rddreg [dreg:$0x0]  }
0x2: {  	s8 =	rddreg [dreg:$0x1]  }
0x3: {  	s1 =	rddreg [dreg:$0x2]  }
0x4: {  	s0 =	rddreg [dreg:$0x3];
	s2 =	simm.s32 $0x0  }
0x5: {  	s3 =	srdreg.scid;
	s16 =	simm.s32 $0x80;
	s17 =	simm.s32 $0x14200  }
0x6: {  	s18 =	simm.s32 $0x1;
	s19 =	simm.s32 $0x14080;
	s20 =	simm.s32 $0x3  }
0x7: {  	s21 =	simm.s32 $0x14180;
	s6 =	sand.u32 $0x1, s3;
	s3 =	stileid.u32  }
0x8: {  	s22 =	simm.s32 $0x0;
	[smem:$0x7FF] =	sst s2;
	s9 =	smul.u32 $0x50000, s3  }
0x9: {  	s4 =	sadd.s32 $0x15C00, s5;
	s10 =	sadd.s32 $0x2000, s5;
	s13 =	smul.u32 $0x140000, s6  }
0xa: {  	s5 =	sadd.s32 $0x3DC00, s5;
	_ =	strace $0x80000047;
	s28 =	smul.u32 $0x14000, s3  }
0xb: {  	s7 =	sshll.u32 s6, $0x4;
	s11 =	ssub.s32 $0x2, s6;
	s15 =	smul.u32 $0x9E00, s6  }
0xc: {  	s29 =	sshll.u32 s3, $0x6;
	s31 =	smul.u32 $0x9E0, s3;
	s7 =	sor.u32 s3, s7  }
0xd: {  	s12 =	sshrl.u32 s11, $0x1;
	s6 =	sor.u32 $0x1C04, s29;
	s7 =	smul.u32 $0x9E0, s7  }
0xe: {  	s11 =	ssub.s32 s11, s12;
	s9 =	sshrl.u32 s9, $0x2;
	s30 =	sadd.s32 s28, s13  }
0xf: {  	s12 =	simm.s32 $0x4;
	s13 =	simm.s32 $0x14000;
	s14 =	sadd.s32 s9, s1  }
0x10: {  	s9 =	sshrl.u32 s30, $0x3;
	s7 =	sadd.s32 s10, s7;
	s10 =	sadd.s32 s15, s10  }
0x11: {  	s8 =	sadd.s32 s8, s9;
	s9 =	smax.u32 s11, $0x1;
	s11 =	sshrl.u32 s14, $0x3  }
0x12: {  	s14 =	simm.s32 $0x14100;
	s15 =	simm.s32 $0x2;
	s10 =	sadd.s32 s31, s10  }
.LBB2_1:
0x13: {  	[spmem:s11], [sflag:s6] =	dma.local [hbm:s5], $0x2800  }
0x14: {  	_ =	swait.ge [sflag:s12], $0x2800  }
0x15: {  	[sflag:s12] =	ssyncset.done $0x0  }
0x16: {  	[sflag:s12] =	ssyncadd.s32 $0xFFFFD800  }
0x17: {  	s23 =	sadd.s32 $0xFFFFF640, s10;
	[bflag:$0x0] =	sbarrier.arrive $0xFFFF  }
0x18: {  	[tilespmem:s13], [sflag:$0x2] =	stream.linear.gather [hbm4b:s7+s2], $0x100, $0x38;
	[tilespmem:$0x18200] =	vst v63  }
0x19: {  	s24 =	sadd.s32 $0x9E0, s23  }
0x1a: {  	[tilespmem:s14], [sflag:$0x3] =	stream.linear.gather [hbm4b:s24+s2], $0x100, $0x38;
	[tilespmem:$0x18200] =	vst v63  }
0x1b: {  	_ =	swait.ge [sflag:s15], $0x100  }
0x1c: {  	[sflag:s15] =	ssyncset.done $0x0  }
0x1d: {  	[sflag:s15] =	ssyncadd.s32 $0xFFFFFF00  }
0x1e: {  	[tilespmem:s17], [sflag:$0x1] =	stream.indirect.gather [hbm4b:s4+s16], $0x80, s13, s16, $0xb8;
	[tilespmem:$0x18200] =	vst v63  }
0x1f: {  	_ =	swait.ge [sflag:s18], $0x4000  }
0x20: {  	[sflag:s18] =	ssyncset.done $0x0  }
0x21: {  	[sflag:s18] =	ssyncadd.s32 $0xFFFFC000  }
0x22: {  	[spmem:s1] =	stream.indirect.scatter.add.f32 [tilespmem:s17], [sflag:$0x4], $0x80, s19, s16, $0xb8;
	[tilespmem:$0x18200] =	vst v63  }
0x23: {  	_ =	swait.ge [sflag:s12], $0x4000  }
0x24: {  	[sflag:s12] =	ssyncset.done $0x0  }
0x25: {  	s23 =	sadd.s32 $0xA00, s23;
	[sflag:s12] =	ssyncadd.s32 $0xFFFFC000  }
0x26: {  	[tilespmem:s13], [sflag:$0x2] =	stream.linear.gather [hbm4b:s23+s2], $0x100, $0x38;
	[tilespmem:$0x18200] =	vst v63  }
0x27: {  	_ =	swait.ge [sflag:s20], $0x100  }
0x28: {  	[sflag:s20] =	ssyncset.done $0x0  }
0x29: {  	[sflag:s20] =	ssyncadd.s32 $0xFFFFFF00  }
0x2a: {  	[tilespmem:s17], [sflag:$0x1] =	stream.indirect.gather [hbm4b:s4+s16], $0x80, s14, s16, $0xb8;
	[tilespmem:$0x18200] =	vst v63  }
0x2b: {  	_ =	swait.ge [sflag:s18], $0x4000  }
0x2c: {  	[sflag:s18] =	ssyncset.done $0x0  }
0x2d: {  	[sflag:s18] =	ssyncadd.s32 $0xFFFFC000  }
0x2e: {  	[spmem:s1] =	stream.indirect.scatter.add.f32 [tilespmem:s17], [sflag:$0x4], $0x80, s21, s16, $0xb8;
	[tilespmem:$0x18200] =	vst v63  }
0x2f: {  	_ =	swait.ge [sflag:s12], $0x4000  }
0x30: {  	s24 =	simm.s32 $0xFFFFF6C0;
	s23 =	sadd.s32 $0xFFFFF680, s10;
	[sflag:s12] =	ssyncset.done $0x0  }
.LBB2_2:
0x31: {  	s25 =	sadd.s32 $0x9E0, s23  }
0x32: {  	[sflag:s12] =	ssyncadd.s32 $0xFFFFC000;
	s26 =	smov.u32 s24;
	s28 =	sadd.s32 $0x40, s24  }
0x33: {  	[tilespmem:s14], [sflag:$0x3] =	stream.linear.gather [hbm4b:s25+s2], $0x100, $0x38;
	[tilespmem:$0x18200] =	vst v63  }
0x34: {  	p0 =	sne.s32 s24, $0xFFFFFFC0;
	_ =	swait.ge [sflag:s15], $0x100  }
0x35: {  	[sflag:s15] =	ssyncset.done $0x0  }
0x36: {  	[sflag:s15] =	ssyncadd.s32 $0xFFFFFF00  }
0x37: {  	[tilespmem:s17], [sflag:$0x1] =	stream.indirect.gather [hbm4b:s4+s16], $0x80, s13, s16, $0xb8;
	[tilespmem:$0x18200] =	vst v63  }
0x38: {  	_ =	swait.ge [sflag:s18], $0x4000  }
0x39: {  	[sflag:s18] =	ssyncset.done $0x0  }
0x3a: {  	[sflag:s18] =	ssyncadd.s32 $0xFFFFC000  }
0x3b: {  	[spmem:s1] =	stream.indirect.scatter.add.f32 [tilespmem:s17], [sflag:$0x4], $0x80, s19, s16, $0xb8;
	[tilespmem:$0x18200] =	vst v63  }
0x3c: {  	_ =	swait.ge [sflag:s12], $0x4000  }
0x3d: {  	[sflag:s12] =	ssyncset.done $0x0  }
0x3e: {  	s23 =	sadd.s32 $0xA00, s23;
	[sflag:s12] =	ssyncadd.s32 $0xFFFFC000  }
0x3f: {  	[tilespmem:s13], [sflag:$0x2] =	stream.linear.gather [hbm4b:s23+s2], $0x100, $0x38;
	[tilespmem:$0x18200] =	vst v63  }
0x40: {  	_ =	swait.ge [sflag:s20], $0x100  }
0x41: {  	[sflag:s20] =	ssyncset.done $0x0  }
0x42: {  	[sflag:s20] =	ssyncadd.s32 $0xFFFFFF00  }
0x43: {  	[tilespmem:s17], [sflag:$0x1] =	stream.indirect.gather [hbm4b:s4+s16], $0x80, s14, s16, $0xb8;
	[tilespmem:$0x18200] =	vst v63  }
0x44: {  	_ =	swait.ge [sflag:s18], $0x4000  }
.Ltmp0:
0x45: {  	[sflag:s18] =	ssyncset.done $0x0;
	(pc) =	sbr.rel @p0 .LBB2_2-.Ltmp0, $4  }
0x46: {  	[sflag:s18] =	ssyncadd.s32 $0xFFFFC000  }
0x47: {  	[spmem:s1] =	stream.indirect.scatter.add.f32 [tilespmem:s17], [sflag:$0x4], $0x80, s21, s16, $0xb8;
	[tilespmem:$0x18200] =	vst v63  }
0x48: {  	_ =	swait.ge [sflag:s12], $0x4000  }
0x49: {  	s24 =	smov.u32 s28;
	s23 =	sadd.s32 s26, s10;
	[sflag:s12] =	ssyncset.done $0x0  }
0x4a: {  	s24 =	sadd.s32 $0x9E0, s23;
	[sflag:s12] =	ssyncadd.s32 $0xFFFFC000  }
0x4b: {  	[tilespmem:s14], [sflag:$0x3] =	stream.linear.gather [hbm4b:s24+s2], $0x100, $0x38;
	[tilespmem:$0x18200] =	vst v63  }
0x4c: {  	_ =	swait.ge [sflag:s15], $0x100  }
0x4d: {  	[sflag:s15] =	ssyncset.done $0x0  }
0x4e: {  	[sflag:s15] =	ssyncadd.s32 $0xFFFFFF00  }
0x4f: {  	[tilespmem:s17], [sflag:$0x1] =	stream.indirect.gather [hbm4b:s4+s16], $0x80, s13, s16, $0xb8;
	[tilespmem:$0x18200] =	vst v63  }
0x50: {  	_ =	swait.ge [sflag:s18], $0x4000  }
0x51: {  	[sflag:s18] =	ssyncset.done $0x0  }
0x52: {  	[sflag:s18] =	ssyncadd.s32 $0xFFFFC000  }
0x53: {  	[spmem:s1] =	stream.indirect.scatter.add.f32 [tilespmem:s17], [sflag:$0x4], $0x80, s19, s16, $0xb8;
	[tilespmem:$0x18200] =	vst v63  }
0x54: {  	_ =	swait.ge [sflag:s12], $0x4000  }
0x55: {  	[sflag:s12] =	ssyncset.done $0x0  }
0x56: {  	s31 =	sadd.s32 $0xA00, s23;
	[sflag:s12] =	ssyncadd.s32 $0xFFFFC000  }
0x57: {  	[tilespmem:s13], [sflag:$0x2] =	stream.linear.gather [hbm4b:s31+s2], $0x100, $0x38;
	[tilespmem:$0x18200] =	vst v63  }
0x58: {  	_ =	swait.ge [sflag:s20], $0x100  }
0x59: {  	[sflag:s20] =	ssyncset.done $0x0  }
0x5a: {  	[sflag:s20] =	ssyncadd.s32 $0xFFFFFF00  }
0x5b: {  	[tilespmem:s17], [sflag:$0x1] =	stream.indirect.gather [hbm4b:s4+s16], $0x80, s14, s16, $0xb8;
	[tilespmem:$0x18200] =	vst v63  }
0x5c: {  	_ =	swait.ge [sflag:s18], $0x4000  }
0x5d: {  	[sflag:s18] =	ssyncset.done $0x0  }
0x5e: {  	[sflag:s18] =	ssyncadd.s32 $0xFFFFC000  }
0x5f: {  	[spmem:s1] =	stream.indirect.scatter.add.f32 [tilespmem:s17], [sflag:$0x4], $0x80, s21, s16, $0xb8;
	[tilespmem:$0x18200] =	vst v63  }
0x60: {  	_ =	swait.ge [sflag:s12], $0x4000  }
0x61: {  	[sflag:s12] =	ssyncset.done $0x0  }
0x62: {  	[sflag:s12] =	ssyncadd.s32 $0xFFFFC000  }
0x63: {  	_ =	swait.ge [sflag:s15], $0x100  }
0x64: {  	[sflag:s15] =	ssyncset.done $0x0  }
0x65: {  	[sflag:s15] =	ssyncadd.s32 $0xFFFFFF00  }
0x66: {  	[tilespmem:s17], [sflag:$0x1] =	stream.indirect.gather [hbm4b:s4+s16], $0x80, s13, s16, $0xb8;
	[tilespmem:$0x18200] =	vst v63  }
0x67: {  	_ =	swait.ge [sflag:s18], $0x4000  }
0x68: {  	[sflag:s18] =	ssyncset.done $0x0  }
0x69: {  	[sflag:s18] =	ssyncadd.s32 $0xFFFFC000  }
0x6a: {  	[spmem:s1] =	stream.indirect.scatter.add.f32 [tilespmem:s17], [sflag:$0x4], $0x80, s19, s16, $0xb8;
	[tilespmem:$0x18200] =	vst v63  }
0x6b: {  	_ =	swait.ge [sflag:s12], $0x4000  }
0x6c: {  	s22 =	sadd.s32 $0x1, s22;
	[sflag:s12] =	ssyncset.done $0x0  }
0x6d: {  	p0 =	sne.s32 s22, s9;
	[sflag:s12] =	ssyncadd.s32 $0xFFFFC000  }
.Ltmp1:
0x6e: {  	[bflag:$0x0] =	sbarrier.arrive $0xFFFF;
	(pc) =	sbr.rel @p0 .LBB2_1-.Ltmp1, $4  }
0x6f: {  	[hbm:s8], [sflag:s6] =	dma.local [spmem:s11], $0x2800  }
0x70: {  	_ =	swait.ge [sflag:s12], $0x2800  }
0x71: {  	[sflag:s12] =	ssyncset.done $0x0  }
0x72: {  	[sflag:s12] =	ssyncadd.s32 $0xFFFFD800  }
0x73: {  	_ =	sfence.sel $0x180000  }
0x74: {  	[bflag:$0x0] =	sbarrier.arrive $0xFFFF  }
0x75: {  	p0 =	sne.s32 s3, $0x0;
	_ =	strace $0x90000047  }
0x76: {  	s0 =	sadd.s32 @!p0 $0x100000, s0;
	[bflag:$0x2] =	sbarrier.arrive $0xFFFF  }
0x77: {  	[sflag:s0] =	ssyncadd.tile.s32 @!p0 $0x1;
	_ =	shalt  }
.Lfunc_end2:
_tile_overlayer_lowered:
.L_overlay_start_2:
0x78: {  	(tag) =	ssettag $0x2  }
0x79: {  	s0 =	rddreg [dreg:$0x0];
	s2 =	stileid.u32  }
0x7a: {  	s1 =	rddreg [dreg:$0x1];
	p0 =	sne.s32 s2, $0x0  }
0x7b: {  	s3 =	rddreg [dreg:$0x2];
	[bflag:$0x3] =	sbarrier.arrive $0xFFFF;
	s2 =	simm.s32 @!p0 $0x1C04  }
0x7c: {  	[timem:s3], [sflag:s2] =	dma.local @!p0 [hbm:s0], s1  }
0x7d: {  	s0 =	simm.s32 @!p0 $0x4  }
0x7e: {  	_ =	swait.ge @!p0 [sflag:s0], s1  }
0x7f: {  	s1 =	ssub.s32 @!p0 $0x0, s1;
	[sflag:s0] =	ssyncset.done @!p0 $0x0  }
0x80: {  	[sflag:s0] =	ssyncadd.s32 @!p0 s1  }
0x81: {  	[bflag:$0x3] =	sbarrier.arrive $0xFFFF  }
0x82: {  	_ =	shalt  }

// kernel: sc_segsum.7.cloned.1.call-start
scs
__scs_entry_jumppad:
0x0: {  	(pc) =	sbr.rel $0x88, $3  }
0x1: {  	(tag) =	ssettag $0x0;
	lr =	simm.s32 $0x1  }
0x2: {  	[smem:$0x3F99] =	sst lr;
	_ =	strace $0xD0000000  }
0x3: {  	_ = 	snop  }
0x4: {  	_ = 	snop  }
0x5: {  	_ = 	snop  }
0x6: {  	_ = 	snop  }
0x7: {  	_ = 	snop  }
__scs_overlays_trampoline_lowered:
0x8: {  	[smem:$0x3FA8] =	sst s0  }
0x9: {  	[smem:$0x3FA9] =	sst s1  }
0xa: {  	[smem:$0x3FAA] =	sst s2  }
0xb: {  	[smem:$0x3FAB] =	sst s3  }
0xc: {  	[smem:$0x3FAC] =	sst s4  }
0xd: {  	[smem:$0x3FAD] =	sst s5  }
0xe: {  	[smem:$0x3FAE] =	sst s6  }
0xf: {  	[smem:$0x3FAF] =	sst s7  }
0x10: {  	[smem:$0x3FB0] =	sst s8  }
0x11: {  	[smem:$0x3FB1] =	sst s9;
	s0 =	simm.s32 @!p0 $0x0  }
0x12: {  	s1 =	sld [smem:$0x3F97];
	s0 =	simm.s32 @p0 $0x1  }
0x13: {  	[smem:$0x3FB2] =	sst s0;
	s0 =	simm.s32 @!p1 $0x0  }
0x14: {  	s2 =	sld [smem:$0x3F96];
	s0 =	simm.s32 @p1 $0x1  }
0x15: {  	[smem:$0x3FB3] =	sst s0;
	s0 =	simm.s32 @!p2 $0x0  }
0x16: {  	s3 =	sld [smem:$0x3FDB];
	s0 =	simm.s32 @p2 $0x1  }
0x17: {  	s4 =	simm.s32 $0x1BF5;
	[smem:$0x3FB5] =	sst s0  }
0x18: {  	s0 =	sld [smem:$0x3F98];
	_ =	swait.ge [sflag:s4], $0x0  }
0x19: {  	s7 =	sld [smem:$0x3F99]  }
0x1a: {  	s8 =	sadd.s32 $0xFFFFE003, lr  }
0x1b: {  	s9 =	sadd.s32 $0xFFFFFEF7, lr;
	s5 =	simm.s32 $0xFFFFFFFF;
	p2 =	slt.u32 s8, $0xFFFFF086  }
0x1c: {  	p1 =	slt.u32 s9, $0xF7A;
	s5 =	simm.s32 @!p2 $0x0  }
0x1d: {  	s5 =	simm.s32 @p1 $0x1;
	p0 =	seq.s32 s7, s2  }
0x1e: {  	s7 =	smul.u32 @!p0 $0xF7A, s2;
	p2 =	seq.s32 @!p0 s5, $0x0  }
0x1f: {  	s9 =	smul.u32 $0xF7A, s1;
	s8 =	simm.s32 @!p0 $0x1BF5;
	p2 =	por !p2, p0  }
0x20: {  	[sflag:s8] =	ssyncset.s32 @!p0 $0xFFFFF086;
	s6 =	sadd.s32 @!p0 s3, s7;
	s7 =	simm.s32 @!p0 $0x108  }
0x21: {  	s3 =	sadd.s32 s3, s9;
	s6 =	sadd.s32 @!p0 $0x88, s6;
	s7 =	simm.s32 @p2 $0x1082  }
0x22: {  	[simem:s7], [sflag:s8] =	dma.local @!p0 [hbm:s6], $0xF7A  }
0x23: {  	s9 =	sor.u32 $0xD0000000, s2;
	s6 =	simm.s32 $0x108;
	_ =	swait.ge @!p0 [sflag:s8], $0x0  }
0x24: {  	s3 =	sadd.s32 $0x88, s3;
	s6 =	simm.s32 @!p1 $0x1082;
	[sflag:s4] =	ssyncset.s32 $0xFFFFF086  }
0x25: {  	[simem:s6], [sflag:s4] =	dma.local [hbm:s3], $0xF7A  }
0x26: {  	[smem:$0x3F99] =	sst s1;
	(tag) =	ssettag s2;
	_ =	strace s9  }
0x27: {  	s1 =	sld [smem:$0x3FA9]  }
0x28: {  	s2 =	sld [smem:$0x3FAA]  }
0x29: {  	s4 =	sld [smem:$0x3FAC]  }
0x2a: {  	p0 =	seq.s32 s5, $0x0;
	s5 =	sld [smem:$0x3FAD]  }
0x2b: {  	s6 =	sld [smem:$0x3FAE]  }
0x2c: {  	s7 =	sld [smem:$0x3FAF]  }
0x2d: {  	s3 =	simm.s32 $0x108;
	s8 =	sld [smem:$0x3FB0]  }
0x2e: {  	s3 =	simm.s32 @!p0 $0x1082;
	s9 =	sld [smem:$0x3FB1]  }
0x2f: {  	lr =	sadd.s32 s0, s3;
	s0 =	sld [smem:$0x3FA8]  }
0x30: {  	s3 =	sld [smem:$0x3FAB]  }
0x31: {  	[smem:$0x3FB4] =	sst s10  }
0x32: {  	s10 =	sld [smem:$0x3FB2];
	_ =	sdelay $0x3  }
0x33: {  	p0 =	seq.s32 s10, $0x1;
	s10 =	sld [smem:$0x3FB4];
	_ =	sdelay $0x3  }
0x34: {  	[smem:$0x3FB4] =	sst s10  }
0x35: {  	s10 =	sld [smem:$0x3FB3];
	_ =	sdelay $0x3  }
0x36: {  	p1 =	seq.s32 s10, $0x1;
	s10 =	sld [smem:$0x3FB4];
	_ =	sdelay $0x3  }
0x37: {  	[smem:$0x3FB4] =	sst s10  }
0x38: {  	s10 =	sld [smem:$0x3FB5]  }
0x39: {  	_ = 	snop;
	(pc) =	sbr.ind lr, $3  }
0x3a: {  	_ = 	snop  }
0x3b: {  	_ = 	snop  }
0x3c: {  	p2 =	seq.s32 s10, $0x1;
	s10 =	sld [smem:$0x3FB4]  }
0x3d: {  	_ =	shalt  }
0x3e: {  	_ =	shalt  }
0x3f: {  	_ =	shalt  }
0x40: {  	_ =	shalt  }
0x41: {  	_ =	shalt  }
0x42: {  	_ =	shalt  }
0x43: {  	_ =	shalt  }
0x44: {  	_ =	shalt  }
0x45: {  	_ =	shalt  }
0x46: {  	_ =	shalt  }
0x47: {  	_ =	shalt  }
0x48: {  	_ =	shalt  }
0x49: {  	_ =	shalt  }
0x4a: {  	_ =	shalt  }
0x4b: {  	_ =	shalt  }
0x4c: {  	_ =	shalt  }
0x4d: {  	_ =	shalt  }
0x4e: {  	_ =	shalt  }
0x4f: {  	_ =	shalt  }
0x50: {  	_ =	shalt  }
0x51: {  	_ =	shalt  }
0x52: {  	_ =	shalt  }
0x53: {  	_ =	shalt  }
0x54: {  	_ =	shalt  }
0x55: {  	_ =	shalt  }
0x56: {  	_ =	shalt  }
0x57: {  	_ =	shalt  }
0x58: {  	_ =	shalt  }
0x59: {  	_ =	shalt  }
0x5a: {  	_ =	shalt  }
0x5b: {  	_ =	shalt  }
0x5c: {  	_ =	shalt  }
0x5d: {  	_ =	shalt  }
0x5e: {  	_ =	shalt  }
0x5f: {  	_ =	shalt  }
0x60: {  	_ =	shalt  }
0x61: {  	_ =	shalt  }
0x62: {  	_ =	shalt  }
0x63: {  	_ =	shalt  }
0x64: {  	_ =	shalt  }
0x65: {  	_ =	shalt  }
0x66: {  	_ =	shalt  }
0x67: {  	_ =	shalt  }
0x68: {  	_ =	shalt  }
0x69: {  	_ =	shalt  }
0x6a: {  	_ =	shalt  }
0x6b: {  	_ =	shalt  }
0x6c: {  	_ =	shalt  }
0x6d: {  	_ =	shalt  }
0x6e: {  	_ =	shalt  }
0x6f: {  	_ =	shalt  }
0x70: {  	_ =	shalt  }
0x71: {  	_ =	shalt  }
0x72: {  	_ =	shalt  }
0x73: {  	_ =	shalt  }
0x74: {  	_ =	shalt  }
0x75: {  	_ =	shalt  }
0x76: {  	_ =	shalt  }
0x77: {  	_ =	shalt  }
0x78: {  	_ =	shalt  }
0x79: {  	_ =	shalt  }
0x7a: {  	_ =	shalt  }
0x7b: {  	_ =	shalt  }
0x7c: {  	_ =	shalt  }
0x7d: {  	_ =	shalt  }
0x7e: {  	_ =	shalt  }
0x7f: {  	_ =	shalt  }
0x80: {  	_ =	shalt  }
0x81: {  	_ =	shalt  }
0x82: {  	_ =	shalt  }
0x83: {  	_ =	shalt  }
0x84: {  	_ =	shalt  }
0x85: {  	_ =	shalt  }
0x86: {  	_ =	shalt  }
0x87: {  	_ =	shalt  }
.Lfunc_end0:
.L_simem_size_0:
called_computation.1_lowered:
.L_overlay_start_0:
0x88: {  	s2 =	sld [smem:$0x3FD9]  }
0x89: {  	s3 =	sld [smem:$0x3FFE];
	_ =	sdelay $0x1  }
0x8a: {  	s1 =	srdreg.scid  }
0x8b: {  	s0 =	sand.u32 $0x1, s1  }
0x8c: {  	s17 =	sshll.u32 s0, $0xA;
	s2 =	sadd.s32 s3, s2  }
0x8d: {  	s2 =	sadd.s32 s2, s17  }
0x8e: {  	[smem:$0x3FC0] =	sst s2  }
0x8f: {  	_ = 	snop  }
0x90: {  	s2 =	sld [smem:$0x3FD0];
	(tm) =	ssettm $0x1  }
0x91: {  	s18 =	sld [smem:$0x3FFB];
	_ =	sdelay $0x3  }
0x92: {  	_ =	strace s18  }
0x93: {  	s3 =	sld [smem:$0x3FFC];
	_ =	sdelay $0x3  }
0x94: {  	_ =	strace s3  }
0x95: {  	s3 =	sld [smem:$0x3FFD];
	_ =	sdelay $0x3  }
0x96: {  	_ =	strace s3  }
0x97: {  	_ =	strace $0x8FFFFFFF  }
0x98: {  	s19 =	sld [smem:$0x3FDB];
	_ =	sdelay $0x1  }
0x99: {  	s4 =	simm.s32 $_scs_section_size  }
0x9a: {  	s5 =	simm.s32 $_size__tile_overlayer_lowered;
	s6 =	simm.s32 $_tile_overlayer_lowered  }
0x9b: {  	s22 =	simm.s32 $0x1BFF;
	s21 =	sshll.u32 s6, $0x1;
	s3 =	sadd.s32 s4, s19  }
0x9c: {  	s7 =	simm.s32 $0x0;
	s20 =	sshll.u32 s5, $0x1;
	s5 =	sadd.s32 s21, s3  }
0x9d: {  	[timem:s7], [sflag:s22] =	dma.local [hbm:s5], s20  }
0x9e: {  	_ =	swait.ge [sflag:s22], s20  }
0x9f: {  	s4 =	ssub.s32 $0x0, s20;
	[sflag:s22] =	ssyncset.done $0x0  }
0xa0: {  	[sflag:s22] =	ssyncadd.s32 s4;
	_ =	sdelay $0x1  }
0xa1: {  	s23 =	simm.s32 $0x1B8B  }
0xa2: {  	_ =	swait.ge [sflag:s23], $0x1  }
0xa3: {  	[sflag:s23] =	ssyncset.done $0x0  }
0xa4: {  	s25 =	simm.s32 $0x1B8E;
	s24 =	sld [smem:$0x3FFE];
	[sflag:s23] =	ssyncadd.s32 $0xFFFFFFFF  }
0xa5: {  	s26 =	simm.s32 $execute0_lowered;
	[smem:$0x3FD2] =	sst s25  }
0xa6: {  	s5 =	sshll.u32 s26, $0x1;
	_ =	strace $0x80000049;
	[dreg:$0x1] =	wrdreg $0xFFFFFFFF  }
0xa7: {  	s28 =	simm.s32 $_size_execute0_lowered;
	s3 =	sadd.s32 s3, s5;
	[dreg:$0x0] =	wrdreg $0x0  }
0xa8: {  	s5 =	sshll.u32 s28, $0x1;
	[dreg:$0x2] =	wrdreg s3  }
0xa9: {  	[dreg:$0x3] =	wrdreg s5  }
0xaa: {  	[dreg:$0x4] =	wrdreg $0xC0  }
0xab: {  	_ =	task [dreg:s7], $0x5FFFF  }
0xac: {  	[dreg:$0x1] =	wrdreg $0xFFFFFFFF  }
0xad: {  	[dreg:$0x0] =	wrdreg $0x60  }
0xae: {  	[dreg:$0x2] =	wrdreg s24  }
0xaf: {  	[dreg:$0x3] =	wrdreg s2  }
0xb0: {  	[dreg:$0x4] =	wrdreg $0x0  }
0xb1: {  	[dreg:$0x5] =	wrdreg $0x9  }
0xb2: {  	_ =	task.clear_ibuf [dreg:s7], $0x6FFFF;
	_ =	strace $0x90000049  }
0xb3: {  	s29 =	simm.s32 $0x9;
	_ =	strace $0x8000004B  }
0xb4: {  	_ =	swait.ge [sflag:s29], $0x1  }
0xb5: {  	[sflag:s29] =	ssyncadd.s32 $0xFFFFFFFF  }
0xb6: {  	_ =	strace $0x9000004B  }
0xb7: {  	_ =	sfence  }
0xb8: {  	s30 =	sld [smem:$0x0];
	_ =	sdelay $0x2  }
0xb9: {  	s31 =	sshll.u32 s1, $0xD;
	s1 =	sshrl.u32 s1, $0x2  }
0xba: {  	s3 =	sand.u32 $0x4000, s31;
	s1 =	sadd.s32 s1, s30  }
0xbb: {  	s0 =	sor.u32 s3, s0;
	s1 =	sshll.u32 s1, $0x11  }
0xbc: {  	s0 =	sor.u32 s1, s0  }
0xbd: {  	s0 =	sadd.s32 $0x8F2B, s0  }
0xbe: {  	[sflag:s0] =	ssyncadd.remote.s32 $0x1  }
0xbf: {  	_ =	sfence.sel $0xFFFF  }
0xc0: {  	[dreg:$0x0] =	wrdreg $0xFFFFFFFF;
	(pc) =	sbr.abs _section_cstart, $3  }
0xc1: {  	[dreg:$0x1] =	wrdreg $0xFFFFFFFF  }
0xc2: {  	_ =	task.clear_ibuf [dreg:s7], $0x2FFFF;
	_ =	strace $0x9FFFFFFF  }
0xc3: {  	(tm) =	ssettm $0x7FFFFFFF  }
tec
execute0_lowered:
.L_overlay_start_1:
0x0: {  	(tag) =	ssettag $0x1  }
0x1: {  	s5 =	rddreg [dreg:$0x0]  }
0x2: {  	s8 =	rddreg [dreg:$0x1]  }
0x3: {  	s1 =	rddreg [dreg:$0x2]  }
0x4: {  	s0 =	rddreg [dreg:$0x3];
	s2 =	simm.s32 $0x0  }
0x5: {  	s3 =	srdreg.scid;
	s16 =	simm.s32 $0x80;
	s17 =	simm.s32 $0x14200  }
0x6: {  	s18 =	simm.s32 $0x1;
	s19 =	simm.s32 $0x14080;
	s20 =	simm.s32 $0x3  }
0x7: {  	s21 =	simm.s32 $0x14180;
	s6 =	sand.u32 $0x1, s3;
	s3 =	stileid.u32  }
0x8: {  	s22 =	simm.s32 $0x0;
	[smem:$0x7FF] =	sst s2;
	s9 =	smul.u32 $0x50000, s3  }
0x9: {  	s4 =	sadd.s32 $0x15C00, s5;
	s10 =	sadd.s32 $0x2000, s5;
	s13 =	smul.u32 $0x140000, s6  }
0xa: {  	s5 =	sadd.s32 $0x3DC00, s5;
	_ =	strace $0x8000004A;
	s28 =	smul.u32 $0x14000, s3  }
0xb: {  	s7 =	sshll.u32 s6, $0x4;
	s11 =	ssub.s32 $0x2, s6;
	s15 =	smul.u32 $0x9E00, s6  }
0xc: {  	s29 =	sshll.u32 s3, $0x6;
	s31 =	smul.u32 $0x9E0, s3;
	s7 =	sor.u32 s3, s7  }
0xd: {  	s12 =	sshrl.u32 s11, $0x1;
	s6 =	sor.u32 $0x1C04, s29;
	s7 =	smul.u32 $0x9E0, s7  }
0xe: {  	s11 =	ssub.s32 s11, s12;
	s9 =	sshrl.u32 s9, $0x2;
	s30 =	sadd.s32 s28, s13  }
0xf: {  	s12 =	simm.s32 $0x4;
	s13 =	simm.s32 $0x14000;
	s14 =	sadd.s32 s9, s1  }
0x10: {  	s9 =	sshrl.u32 s30, $0x3;
	s7 =	sadd.s32 s10, s7;
	s10 =	sadd.s32 s15, s10  }
0x11: {  	s8 =	sadd.s32 s8, s9;
	s9 =	smax.u32 s11, $0x1;
	s11 =	sshrl.u32 s14, $0x3  }
0x12: {  	s14 =	simm.s32 $0x14100;
	s15 =	simm.s32 $0x2;
	s10 =	sadd.s32 s31, s10  }
.LBB2_1:
0x13: {  	[spmem:s11], [sflag:s6] =	dma.local [hbm:s5], $0x2800  }
0x14: {  	_ =	swait.ge [sflag:s12], $0x2800  }
0x15: {  	[sflag:s12] =	ssyncset.done $0x0  }
0x16: {  	[sflag:s12] =	ssyncadd.s32 $0xFFFFD800  }
0x17: {  	s23 =	sadd.s32 $0xFFFFF640, s10;
	[bflag:$0x0] =	sbarrier.arrive $0xFFFF  }
0x18: {  	[tilespmem:s13], [sflag:$0x2] =	stream.linear.gather [hbm4b:s7+s2], $0x100, $0x38;
	[tilespmem:$0x18200] =	vst v63  }
0x19: {  	s24 =	sadd.s32 $0x9E0, s23  }
0x1a: {  	[tilespmem:s14], [sflag:$0x3] =	stream.linear.gather [hbm4b:s24+s2], $0x100, $0x38;
	[tilespmem:$0x18200] =	vst v63  }
0x1b: {  	_ =	swait.ge [sflag:s15], $0x100  }
0x1c: {  	[sflag:s15] =	ssyncset.done $0x0  }
0x1d: {  	[sflag:s15] =	ssyncadd.s32 $0xFFFFFF00  }
0x1e: {  	[tilespmem:s17], [sflag:$0x1] =	stream.indirect.gather [hbm4b:s4+s16], $0x80, s13, s16, $0xb8;
	[tilespmem:$0x18200] =	vst v63  }
0x1f: {  	_ =	swait.ge [sflag:s18], $0x4000  }
0x20: {  	[sflag:s18] =	ssyncset.done $0x0  }
0x21: {  	[sflag:s18] =	ssyncadd.s32 $0xFFFFC000  }
0x22: {  	[spmem:s1] =	stream.indirect.scatter.add.f32 [tilespmem:s17], [sflag:$0x4], $0x80, s19, s16, $0xb8;
	[tilespmem:$0x18200] =	vst v63  }
0x23: {  	_ =	swait.ge [sflag:s12], $0x4000  }
0x24: {  	[sflag:s12] =	ssyncset.done $0x0  }
0x25: {  	s23 =	sadd.s32 $0xA00, s23;
	[sflag:s12] =	ssyncadd.s32 $0xFFFFC000  }
0x26: {  	[tilespmem:s13], [sflag:$0x2] =	stream.linear.gather [hbm4b:s23+s2], $0x100, $0x38;
	[tilespmem:$0x18200] =	vst v63  }
0x27: {  	_ =	swait.ge [sflag:s20], $0x100  }
0x28: {  	[sflag:s20] =	ssyncset.done $0x0  }
0x29: {  	[sflag:s20] =	ssyncadd.s32 $0xFFFFFF00  }
0x2a: {  	[tilespmem:s17], [sflag:$0x1] =	stream.indirect.gather [hbm4b:s4+s16], $0x80, s14, s16, $0xb8;
	[tilespmem:$0x18200] =	vst v63  }
0x2b: {  	_ =	swait.ge [sflag:s18], $0x4000  }
0x2c: {  	[sflag:s18] =	ssyncset.done $0x0  }
0x2d: {  	[sflag:s18] =	ssyncadd.s32 $0xFFFFC000  }
0x2e: {  	[spmem:s1] =	stream.indirect.scatter.add.f32 [tilespmem:s17], [sflag:$0x4], $0x80, s21, s16, $0xb8;
	[tilespmem:$0x18200] =	vst v63  }
0x2f: {  	_ =	swait.ge [sflag:s12], $0x4000  }
0x30: {  	s24 =	simm.s32 $0xFFFFF6C0;
	s23 =	sadd.s32 $0xFFFFF680, s10;
	[sflag:s12] =	ssyncset.done $0x0  }
.LBB2_2:
0x31: {  	s25 =	sadd.s32 $0x9E0, s23  }
0x32: {  	[sflag:s12] =	ssyncadd.s32 $0xFFFFC000;
	s26 =	smov.u32 s24;
	s28 =	sadd.s32 $0x40, s24  }
0x33: {  	[tilespmem:s14], [sflag:$0x3] =	stream.linear.gather [hbm4b:s25+s2], $0x100, $0x38;
	[tilespmem:$0x18200] =	vst v63  }
0x34: {  	p0 =	sne.s32 s24, $0xFFFFFFC0;
	_ =	swait.ge [sflag:s15], $0x100  }
0x35: {  	[sflag:s15] =	ssyncset.done $0x0  }
0x36: {  	[sflag:s15] =	ssyncadd.s32 $0xFFFFFF00  }
0x37: {  	[tilespmem:s17], [sflag:$0x1] =	stream.indirect.gather [hbm4b:s4+s16], $0x80, s13, s16, $0xb8;
	[tilespmem:$0x18200] =	vst v63  }
0x38: {  	_ =	swait.ge [sflag:s18], $0x4000  }
0x39: {  	[sflag:s18] =	ssyncset.done $0x0  }
0x3a: {  	[sflag:s18] =	ssyncadd.s32 $0xFFFFC000  }
0x3b: {  	[spmem:s1] =	stream.indirect.scatter.add.f32 [tilespmem:s17], [sflag:$0x4], $0x80, s19, s16, $0xb8;
	[tilespmem:$0x18200] =	vst v63  }
0x3c: {  	_ =	swait.ge [sflag:s12], $0x4000  }
0x3d: {  	[sflag:s12] =	ssyncset.done $0x0  }
0x3e: {  	s23 =	sadd.s32 $0xA00, s23;
	[sflag:s12] =	ssyncadd.s32 $0xFFFFC000  }
0x3f: {  	[tilespmem:s13], [sflag:$0x2] =	stream.linear.gather [hbm4b:s23+s2], $0x100, $0x38;
	[tilespmem:$0x18200] =	vst v63  }
0x40: {  	_ =	swait.ge [sflag:s20], $0x100  }
0x41: {  	[sflag:s20] =	ssyncset.done $0x0  }
0x42: {  	[sflag:s20] =	ssyncadd.s32 $0xFFFFFF00  }
0x43: {  	[tilespmem:s17], [sflag:$0x1] =	stream.indirect.gather [hbm4b:s4+s16], $0x80, s14, s16, $0xb8;
	[tilespmem:$0x18200] =	vst v63  }
0x44: {  	_ =	swait.ge [sflag:s18], $0x4000  }
.Ltmp0:
0x45: {  	[sflag:s18] =	ssyncset.done $0x0;
	(pc) =	sbr.rel @p0 .LBB2_2-.Ltmp0, $4  }
0x46: {  	[sflag:s18] =	ssyncadd.s32 $0xFFFFC000  }
0x47: {  	[spmem:s1] =	stream.indirect.scatter.add.f32 [tilespmem:s17], [sflag:$0x4], $0x80, s21, s16, $0xb8;
	[tilespmem:$0x18200] =	vst v63  }
0x48: {  	_ =	swait.ge [sflag:s12], $0x4000  }
0x49: {  	s24 =	smov.u32 s28;
	s23 =	sadd.s32 s26, s10;
	[sflag:s12] =	ssyncset.done $0x0  }
0x4a: {  	s24 =	sadd.s32 $0x9E0, s23;
	[sflag:s12] =	ssyncadd.s32 $0xFFFFC000  }
0x4b: {  	[tilespmem:s14], [sflag:$0x3] =	stream.linear.gather [hbm4b:s24+s2], $0x100, $0x38;
	[tilespmem:$0x18200] =	vst v63  }
0x4c: {  	_ =	swait.ge [sflag:s15], $0x100  }
0x4d: {  	[sflag:s15] =	ssyncset.done $0x0  }
0x4e: {  	[sflag:s15] =	ssyncadd.s32 $0xFFFFFF00  }
0x4f: {  	[tilespmem:s17], [sflag:$0x1] =	stream.indirect.gather [hbm4b:s4+s16], $0x80, s13, s16, $0xb8;
	[tilespmem:$0x18200] =	vst v63  }
0x50: {  	_ =	swait.ge [sflag:s18], $0x4000  }
0x51: {  	[sflag:s18] =	ssyncset.done $0x0  }
0x52: {  	[sflag:s18] =	ssyncadd.s32 $0xFFFFC000  }
0x53: {  	[spmem:s1] =	stream.indirect.scatter.add.f32 [tilespmem:s17], [sflag:$0x4], $0x80, s19, s16, $0xb8;
	[tilespmem:$0x18200] =	vst v63  }
0x54: {  	_ =	swait.ge [sflag:s12], $0x4000  }
0x55: {  	[sflag:s12] =	ssyncset.done $0x0  }
0x56: {  	s31 =	sadd.s32 $0xA00, s23;
	[sflag:s12] =	ssyncadd.s32 $0xFFFFC000  }
0x57: {  	[tilespmem:s13], [sflag:$0x2] =	stream.linear.gather [hbm4b:s31+s2], $0x100, $0x38;
	[tilespmem:$0x18200] =	vst v63  }
0x58: {  	_ =	swait.ge [sflag:s20], $0x100  }
0x59: {  	[sflag:s20] =	ssyncset.done $0x0  }
0x5a: {  	[sflag:s20] =	ssyncadd.s32 $0xFFFFFF00  }
0x5b: {  	[tilespmem:s17], [sflag:$0x1] =	stream.indirect.gather [hbm4b:s4+s16], $0x80, s14, s16, $0xb8;
	[tilespmem:$0x18200] =	vst v63  }
0x5c: {  	_ =	swait.ge [sflag:s18], $0x4000  }
0x5d: {  	[sflag:s18] =	ssyncset.done $0x0  }
0x5e: {  	[sflag:s18] =	ssyncadd.s32 $0xFFFFC000  }
0x5f: {  	[spmem:s1] =	stream.indirect.scatter.add.f32 [tilespmem:s17], [sflag:$0x4], $0x80, s21, s16, $0xb8;
	[tilespmem:$0x18200] =	vst v63  }
0x60: {  	_ =	swait.ge [sflag:s12], $0x4000  }
0x61: {  	[sflag:s12] =	ssyncset.done $0x0  }
0x62: {  	[sflag:s12] =	ssyncadd.s32 $0xFFFFC000  }
0x63: {  	_ =	swait.ge [sflag:s15], $0x100  }
0x64: {  	[sflag:s15] =	ssyncset.done $0x0  }
0x65: {  	[sflag:s15] =	ssyncadd.s32 $0xFFFFFF00  }
0x66: {  	[tilespmem:s17], [sflag:$0x1] =	stream.indirect.gather [hbm4b:s4+s16], $0x80, s13, s16, $0xb8;
	[tilespmem:$0x18200] =	vst v63  }
0x67: {  	_ =	swait.ge [sflag:s18], $0x4000  }
0x68: {  	[sflag:s18] =	ssyncset.done $0x0  }
0x69: {  	[sflag:s18] =	ssyncadd.s32 $0xFFFFC000  }
0x6a: {  	[spmem:s1] =	stream.indirect.scatter.add.f32 [tilespmem:s17], [sflag:$0x4], $0x80, s19, s16, $0xb8;
	[tilespmem:$0x18200] =	vst v63  }
0x6b: {  	_ =	swait.ge [sflag:s12], $0x4000  }
0x6c: {  	s22 =	sadd.s32 $0x1, s22;
	[sflag:s12] =	ssyncset.done $0x0  }
0x6d: {  	p0 =	sne.s32 s22, s9;
	[sflag:s12] =	ssyncadd.s32 $0xFFFFC000  }
.Ltmp1:
0x6e: {  	[bflag:$0x0] =	sbarrier.arrive $0xFFFF;
	(pc) =	sbr.rel @p0 .LBB2_1-.Ltmp1, $4  }
0x6f: {  	[hbm:s8], [sflag:s6] =	dma.local [spmem:s11], $0x2800  }
0x70: {  	_ =	swait.ge [sflag:s12], $0x2800  }
0x71: {  	[sflag:s12] =	ssyncset.done $0x0  }
0x72: {  	[sflag:s12] =	ssyncadd.s32 $0xFFFFD800  }
0x73: {  	_ =	sfence.sel $0x180000  }
0x74: {  	[bflag:$0x0] =	sbarrier.arrive $0xFFFF  }
0x75: {  	p0 =	sne.s32 s3, $0x0;
	_ =	strace $0x9000004A  }
0x76: {  	s0 =	sadd.s32 @!p0 $0x100000, s0;
	[bflag:$0x2] =	sbarrier.arrive $0xFFFF  }
0x77: {  	[sflag:s0] =	ssyncadd.tile.s32 @!p0 $0x1;
	_ =	shalt  }
.Lfunc_end2:
_tile_overlayer_lowered:
.L_overlay_start_2:
0x78: {  	(tag) =	ssettag $0x2  }
0x79: {  	s0 =	rddreg [dreg:$0x0];
	s2 =	stileid.u32  }
0x7a: {  	s1 =	rddreg [dreg:$0x1];
	p0 =	sne.s32 s2, $0x0  }
0x7b: {  	s3 =	rddreg [dreg:$0x2];
	[bflag:$0x3] =	sbarrier.arrive $0xFFFF;
	s2 =	simm.s32 @!p0 $0x1C04  }
0x7c: {  	[timem:s3], [sflag:s2] =	dma.local @!p0 [hbm:s0], s1  }
0x7d: {  	s0 =	simm.s32 @!p0 $0x4  }
0x7e: {  	_ =	swait.ge @!p0 [sflag:s0], s1  }
0x7f: {  	s1 =	ssub.s32 @!p0 $0x0, s1;
	[sflag:s0] =	ssyncset.done @!p0 $0x0  }
0x80: {  	[sflag:s0] =	ssyncadd.s32 @!p0 s1  }
0x81: {  	[bflag:$0x3] =	sbarrier.arrive $0xFFFF  }
0x82: {  	_ =	shalt  }

</sc_bundles>
